<compile_context>
chip_gen: v7x
topology: tpu7x:2x2x1
jax: 0.10.2.dev20260603
libtpu: 0.0.44.dev20260713+nightly
codegen_flags: <defaults>
</compile_context>

<pallas_src>
import functools
import math

import jax
import jax.numpy as jnp
from jax import lax
from jax.experimental import pallas as pl
from jax.experimental.pallas import tpu as pltpu
from jax.experimental.pallas import tpu_sc as plsc

_K = 8
_BS = 2


def _loss_body(pf_ref, x_ref, t_ref, ml_ref, idx_ref):
    _, h, w, d = t_ref.shape
    inv_n = 1.0 / (h * w * d)
    penalty = math.log(_K, 2) / (h * w)
    b = pl.program_id(0)

    for s in range(_BS):
        tb = t_ref[s]

        best_scaled = jnp.float32(jnp.inf)
        best_loss = jnp.float32(0.0)
        best_idx = jnp.int32(0)
        for k in range(_K):
            diff = x_ref[s, :, :, k * d:(k + 1) * d] - tb
            loss_k = jnp.sum(diff * diff) * inv_n + penalty
            scaled_k = loss_k * pf_ref[0, k]
            better = scaled_k < best_scaled
            best_scaled = jnp.where(better, scaled_k, best_scaled)
            best_loss = jnp.where(better, loss_k, best_loss)
            best_idx = jnp.where(better, jnp.int32(k), best_idx)

        ml_ref[s] = jnp.full((1, 128), best_loss, jnp.float32)
        g = b * _BS + s
        p = (lax.broadcasted_iota(jnp.int32, (_K, 128), 0) * 128
             + lax.broadcasted_iota(jnp.int32, (_K, 128), 1))
        idx_ref[s] = g * 8192 + (p >> 3) * 64 + best_idx * 8 + (p & 7)


def _make_sc_gather(n_rows, nj):
    info = plsc.get_sparse_core_info()
    nc, ns = info.num_cores, info.num_subcores
    mesh = plsc.VectorSubcoreMesh(core_axis_name="c", subcore_axis_name="s")

    @functools.partial(
        pl.kernel,
        mesh=mesh,
        out_type=jax.ShapeDtypeStruct((n_rows, 128), jnp.float32),
        scratch_types=[
            pltpu.VMEM((nj, 128), jnp.int32),
            pltpu.VMEM((2, 128, 128), jnp.float32),
            pltpu.SemaphoreType.DMA,
            pltpu.SemaphoreType.DMA,
            pltpu.SemaphoreType.DMA,
            pltpu.SemaphoreType.DMA,
        ],
    )
    def gather(table_hbm, idx_hbm, out_hbm, idx_v, rows_v, g0, g1, o0, o1):
        wid = lax.axis_index("s") * nc + lax.axis_index("c")
        base = wid * nj * 128
        gsem = (g0, g1)
        osem = (o0, o1)
        pltpu.sync_copy(idx_hbm.at[wid], idx_v)
        gathers = [None, None]
        writes = [None, None]
        for j in range(nj):
            m = j % 2
            if writes[m] is not None:
                writes[m].wait()
                writes[m] = None
            gathers[m] = pltpu.async_copy(
                table_hbm.at[idx_v.at[j]], rows_v.at[m], gsem[m])
            if j > 0:
                pm = 1 - m
                gathers[pm].wait()
                writes[pm] = pltpu.async_copy(
                    rows_v.at[pm], out_hbm.at[pl.ds(base + (j - 1) * 128, 128)],
                    osem[pm])
        m = (nj - 1) % 2
        pm = 1 - m
        gathers[m].wait()
        pltpu.sync_copy(rows_v.at[m], out_hbm.at[pl.ds(base + (nj - 1) * 128, 128)])
        if writes[pm] is not None:
            writes[pm].wait()

    return gather


def kernel(x, target, pick_frequency):
    B, C, H, W = x.shape
    D = C // _K
    xt = jnp.transpose(x, (0, 2, 3, 1))
    tt = jnp.transpose(target, (0, 2, 3, 1))
    pf = pick_frequency.reshape(1, _K)

    ml, idx = pl.pallas_call(
        _loss_body,
        grid=(B // _BS,),
        in_specs=[
            pl.BlockSpec(memory_space=pltpu.SMEM),
            pl.BlockSpec((_BS, H, W, C), lambda b: (b, 0, 0, 0)),
            pl.BlockSpec((_BS, H, W, D), lambda b: (b, 0, 0, 0)),
        ],
        out_specs=[
            pl.BlockSpec((_BS, 1, 128), lambda b: (b, 0, 0)),
            pl.BlockSpec((_BS, _K, 128), lambda b: (b, 0, 0)),
        ],
        out_shape=[
            jax.ShapeDtypeStruct((B, 1, 128), jnp.float32),
            jax.ShapeDtypeStruct((B, _K, 128), jnp.int32),
        ],
        compiler_params=pltpu.CompilerParams(
            dimension_semantics=("parallel",),
        ),
    )(pf, xt, tt)

    table = (xt.reshape(B, H, W // 8, 8, _K, 128)
             .transpose(0, 1, 2, 4, 3, 5)
             .reshape(B * H * W * _K, 128))

    sel_rows = _make_sc_gather(B * H * W, _K)(table, idx)

    sel = sel_rows.reshape(B, H, W, D)
    selected = jnp.transpose(sel, (0, 3, 1, 2))
    min_loss = ml[:, 0, 0]
    return selected, min_loss

# --- scband reference (transcript-rebuilt; emitter-appended) ---
"""Pipeline reference for scband-sddn-select-56513179680800 (READ-ONLY COPY).

The authoritative reference and input builder live on the scoring server;
editing this copy changes nothing except your own understanding.
"""

import jax, jax.numpy as jnp
import numpy as np
import math

K = 8

def setup_inputs(seed: int = 0) -> dict:
    key = jax.random.key(seed)
    k1, k2 = jax.random.split(key)
    x = jax.random.normal(k1, (32, 1024, 32, 32), dtype=jnp.float32)
    target = jax.random.normal(k2, (32, 128, 32, 32), dtype=jnp.float32)
    # non-trainable buffer, initialized to 7 like torch.full((k,), 7)
    pick_frequency = jnp.full((K,), 7.0, dtype=jnp.float32)
    return {"x": x, "target": target, "pick_frequency": pick_frequency}

def reference(x, target, pick_frequency):
    B, C, H, W = x.shape
    D = C // K
    # compute_loss: loss_function is MSE with mean reduction over non-batch dims
    batched_x = x.reshape(B * K, D, H, W)
    tgt = jnp.repeat(target, K, axis=0)  # repeat_interleave along dim 0
    provided_penalty = math.log(K, 2) / (H * W)  # reduce(mul, sizes[2:])
    loss = jnp.mean((batched_x - tgt) ** 2, axis=(1, 2, 3)) + provided_penalty
    loss = loss.reshape(B, K)
    # process_min_loss_mask (rebalance=True, eval mode: no EMA update)
    min_loss_index = jnp.argmin(loss * pick_frequency.reshape(1, K), axis=1)
    min_loss_mask = jax.nn.one_hot(min_loss_index, K, dtype=loss.dtype)
    min_loss = jnp.sum(loss * min_loss_mask, axis=1)
    x5 = x.reshape(B, K, D, H, W)
    mask_r = min_loss_mask.reshape(B, K, 1, 1, 1)
    selected = jnp.sum(x5 * mask_r, axis=1)
    return selected, min_loss

if __name__ == "__main__":
    import jax
    _d = setup_inputs()
    print(jax.jit(kernel)(*tuple(_d.values())))

</pallas_src>

<mosaic_0001>
#map = affine_map<(d0, d1) -> (0, 0)>
#map1 = affine_map<(d0, d1) -> (0, 0, 0)>
module attributes {stable_mosaic.version = 14 : i64} {
  func.func @gather(%arg0: i32, %arg1: i32, %arg2: memref<262144x128xf32, #tpu.memory_space<hbm>>, %arg3: memref<32x8x128xi32, #tpu.memory_space<hbm>>, %arg4: memref<32768x128xf32, #tpu.memory_space<hbm>>, %arg5: memref<8x128xi32, #tpu.memory_space<vmem>>, %arg6: memref<2x128x128xf32, #tpu.memory_space<vmem>>, %arg7: memref<!tpu.dma_semaphore, #tpu.memory_space<semaphore_mem>>, %arg8: memref<!tpu.dma_semaphore, #tpu.memory_space<semaphore_mem>>, %arg9: memref<!tpu.dma_semaphore, #tpu.memory_space<semaphore_mem>>, %arg10: memref<!tpu.dma_semaphore, #tpu.memory_space<semaphore_mem>>) attributes {dimension_semantics = [#tpu.dimension_semantics<core_parallel>, #tpu.dimension_semantics<subcore_parallel>], iteration_bounds = array<i64: 2, 16>, scalar_prefetch = 0 : i64, scratch_operands = 6 : i64, tpu.core_type = #tpu.core_type<sc_vector_subcore>, window_params = [{transform_indices = #map}, {transform_indices = #map1}, {transform_indices = #map}]} {
    %mul3A = arith.constant 2 : i32
    %mul3A_0 = arith.muli %arg1, %mul3A : i32
    %add3A = arith.addi %mul3A_0, %arg0 : i32
    %mul3A_1 = arith.constant 8 : i32
    %mul3A_2 = arith.muli %add3A, %mul3A_1 : i32
    %mul3A_3 = arith.constant 128 : i32
    %mul3A_4 = arith.muli %mul3A_2, %mul3A_3 : i32
    "tpu.region"() ({
      %run_scoped3A_393 = tpu.sem_alloc : memref<!tpu.dma_semaphore, #tpu.memory_space<semaphore_mem>>
      %dma_start3A_394 = arith.constant 0 : i32
      %dma_start3A_395 = arith.constant 0 : i32
      %dma_start3A_396 = tpu.memref_slice %arg3[%add3A, %dma_start3A_394, %dma_start3A_395] : memref<32x8x128xi32, #tpu.memory_space<hbm>> -> memref<1x8x128xi32, #tpu.memory_space<hbm>>
      %dma_start3A_397 = tpu.memref_squeeze %dma_start3A_396 : memref<1x8x128xi32, #tpu.memory_space<hbm>> -> memref<8x128xi32, #tpu.memory_space<hbm>>
      %dma_start3A_398 = arith.constant 0 : i32
      %dma_start3A_399 = arith.constant 0 : i32
      %dma_start3A_400 = tpu.memref_slice %arg3[%add3A, %dma_start3A_398, %dma_start3A_399] : memref<32x8x128xi32, #tpu.memory_space<hbm>> -> memref<1x8x128xi32, #tpu.memory_space<hbm>>
      %dma_start3A_401 = tpu.memref_squeeze %dma_start3A_400 : memref<1x8x128xi32, #tpu.memory_space<hbm>> -> memref<8x128xi32, #tpu.memory_space<hbm>>
      tpu.enqueue_dma source(%dma_start3A_401 : memref<8x128xi32, #tpu.memory_space<hbm>>) target(%arg5 : memref<8x128xi32, #tpu.memory_space<vmem>>) target_semaphore(%run_scoped3A_393 : memref<!tpu.dma_semaphore, #tpu.memory_space<semaphore_mem>>)
      %dma_wait3A_402 = arith.constant 0 : i32
      %dma_wait3A_403 = arith.constant 0 : i32
      %dma_wait3A_404 = tpu.memref_slice %arg3[%add3A, %dma_wait3A_402, %dma_wait3A_403] : memref<32x8x128xi32, #tpu.memory_space<hbm>> -> memref<1x8x128xi32, #tpu.memory_space<hbm>>
      %dma_wait3A_405 = tpu.memref_squeeze %dma_wait3A_404 : memref<1x8x128xi32, #tpu.memory_space<hbm>> -> memref<8x128xi32, #tpu.memory_space<hbm>>
      %dma_wait3A_406 = arith.constant 0 : i32
      %dma_wait3A_407 = arith.constant 0 : i32
      %dma_wait3A_408 = tpu.memref_slice %arg3[%add3A, %dma_wait3A_406, %dma_wait3A_407] : memref<32x8x128xi32, #tpu.memory_space<hbm>> -> memref<1x8x128xi32, #tpu.memory_space<hbm>>
      %dma_wait3A_409 = tpu.memref_squeeze %dma_wait3A_408 : memref<1x8x128xi32, #tpu.memory_space<hbm>> -> memref<8x128xi32, #tpu.memory_space<hbm>>
      tpu.wait_dma2 semaphore(%run_scoped3A_393 : memref<!tpu.dma_semaphore, #tpu.memory_space<semaphore_mem>>) src(%dma_wait3A_409 : memref<8x128xi32, #tpu.memory_space<hbm>>) dst(%arg5 : memref<8x128xi32, #tpu.memory_space<vmem>>)
      tpu.yield
    }) : () -> ()
    %dma_start3A = arith.constant 0 : i32
    %dma_start3A_5 = arith.constant 0 : i32
    %dma_start3A_6 = arith.constant 0 : i32
    %dma_start3A_7 = arith.constant 0 : i32
    %dma_start3A_8 = tpu.memref_slice %arg6[%dma_start3A_5, %dma_start3A_6, %dma_start3A_7] : memref<2x128x128xf32, #tpu.memory_space<vmem>> -> memref<1x128x128xf32, #tpu.memory_space<vmem>>
    %dma_start3A_9 = tpu.memref_squeeze %dma_start3A_8 : memref<1x128x128xf32, #tpu.memory_space<vmem>> -> memref<128x128xf32, #tpu.memory_space<vmem>>
    %dma_start3A_10 = arith.constant 0 : i32
    %dma_start3A_11 = tpu.memref_slice %arg5[%dma_start3A, %dma_start3A_10] : memref<8x128xi32, #tpu.memory_space<vmem>> -> memref<1x128xi32, #tpu.memory_space<vmem>>
    %dma_start3A_12 = tpu.memref_squeeze %dma_start3A_11 : memref<1x128xi32, #tpu.memory_space<vmem>> -> memref<128xi32, #tpu.memory_space<vmem>>
    %dma_start3A_13 = arith.constant 0 : i32
    %dma_start3A_14 = arith.constant 0 : i32
    %dma_start3A_15 = tpu.memref_slice %arg2[%dma_start3A_13, %dma_start3A_14] : memref<262144x128xf32, #tpu.memory_space<hbm>> -> memref<262144x128xf32, #tpu.memory_space<hbm>>
    tpu.enqueue_indirect_dma source(%dma_start3A_15 : memref<262144x128xf32, #tpu.memory_space<hbm>>) target(%dma_start3A_9 : memref<128x128xf32, #tpu.memory_space<vmem>>) offsets(%dma_start3A_12 : memref<128xi32, #tpu.memory_space<vmem>>) semaphore(%arg7 : memref<!tpu.dma_semaphore, #tpu.memory_space<semaphore_mem>>)
    %dma_start3A_16 = arith.constant 1 : i32
    %dma_start3A_17 = arith.constant 1 : i32
    %dma_start3A_18 = arith.constant 0 : i32
    %dma_start3A_19 = arith.constant 0 : i32
    %dma_start3A_20 = tpu.memref_slice %arg6[%dma_start3A_17, %dma_start3A_18, %dma_start3A_19] : memref<2x128x128xf32, #tpu.memory_space<vmem>> -> memref<1x128x128xf32, #tpu.memory_space<vmem>>
    %dma_start3A_21 = tpu.memref_squeeze %dma_start3A_20 : memref<1x128x128xf32, #tpu.memory_space<vmem>> -> memref<128x128xf32, #tpu.memory_space<vmem>>
    %dma_start3A_22 = arith.constant 0 : i32
    %dma_start3A_23 = tpu.memref_slice %arg5[%dma_start3A_16, %dma_start3A_22] : memref<8x128xi32, #tpu.memory_space<vmem>> -> memref<1x128xi32, #tpu.memory_space<vmem>>
    %dma_start3A_24 = tpu.memref_squeeze %dma_start3A_23 : memref<1x128xi32, #tpu.memory_space<vmem>> -> memref<128xi32, #tpu.memory_space<vmem>>
    %dma_start3A_25 = arith.constant 0 : i32
    %dma_start3A_26 = arith.constant 0 : i32
    %dma_start3A_27 = tpu.memref_slice %arg2[%dma_start3A_25, %dma_start3A_26] : memref<262144x128xf32, #tpu.memory_space<hbm>> -> memref<262144x128xf32, #tpu.memory_space<hbm>>
    tpu.enqueue_indirect_dma source(%dma_start3A_27 : memref<262144x128xf32, #tpu.memory_space<hbm>>) target(%dma_start3A_21 : memref<128x128xf32, #tpu.memory_space<vmem>>) offsets(%dma_start3A_24 : memref<128xi32, #tpu.memory_space<vmem>>) semaphore(%arg8 : memref<!tpu.dma_semaphore, #tpu.memory_space<semaphore_mem>>)
    %dma_wait3A = arith.constant 0 : i32
    %dma_wait3A_28 = arith.constant 0 : i32
    %dma_wait3A_29 = arith.constant 0 : i32
    %dma_wait3A_30 = arith.constant 0 : i32
    %dma_wait3A_31 = tpu.memref_slice %arg6[%dma_wait3A_28, %dma_wait3A_29, %dma_wait3A_30] : memref<2x128x128xf32, #tpu.memory_space<vmem>> -> memref<1x128x128xf32, #tpu.memory_space<vmem>>
    %dma_wait3A_32 = tpu.memref_squeeze %dma_wait3A_31 : memref<1x128x128xf32, #tpu.memory_space<vmem>> -> memref<128x128xf32, #tpu.memory_space<vmem>>
    %dma_wait3A_33 = arith.constant 0 : i32
    %dma_wait3A_34 = tpu.memref_slice %arg5[%dma_wait3A, %dma_wait3A_33] : memref<8x128xi32, #tpu.memory_space<vmem>> -> memref<1x128xi32, #tpu.memory_space<vmem>>
    %dma_wait3A_35 = tpu.memref_squeeze %dma_wait3A_34 : memref<1x128xi32, #tpu.memory_space<vmem>> -> memref<128xi32, #tpu.memory_space<vmem>>
    %dma_wait3A_36 = arith.constant 0 : i32
    %dma_wait3A_37 = arith.constant 0 : i32
    %dma_wait3A_38 = tpu.memref_slice %arg2[%dma_wait3A_36, %dma_wait3A_37] : memref<262144x128xf32, #tpu.memory_space<hbm>> -> memref<262144x128xf32, #tpu.memory_space<hbm>>
    tpu.wait_indirect_dma semaphore(%arg7 : memref<!tpu.dma_semaphore, #tpu.memory_space<semaphore_mem>>) src(%dma_wait3A_38 : memref<262144x128xf32, #tpu.memory_space<hbm>>) dst(%dma_wait3A_32 : memref<128x128xf32, #tpu.memory_space<vmem>>)
    %add3A_39 = arith.constant 0 : i32
    %add3A_40 = arith.addi %mul3A_4, %add3A_39 : i32
    %dma_start3A_41 = arith.constant 0 : i32
    %dma_start3A_42 = arith.constant 0 : i32
    %dma_start3A_43 = arith.constant 0 : i32
    %dma_start3A_44 = tpu.memref_slice %arg6[%dma_start3A_41, %dma_start3A_42, %dma_start3A_43] : memref<2x128x128xf32, #tpu.memory_space<vmem>> -> memref<1x128x128xf32, #tpu.memory_space<vmem>>
    %dma_start3A_45 = tpu.memref_squeeze %dma_start3A_44 : memref<1x128x128xf32, #tpu.memory_space<vmem>> -> memref<128x128xf32, #tpu.memory_space<vmem>>
    %dma_start3A_46 = arith.constant 0 : i32
    %dma_start3A_47 = tpu.memref_slice %arg4[%add3A_40, %dma_start3A_46] : memref<32768x128xf32, #tpu.memory_space<hbm>> -> memref<128x128xf32, #tpu.memory_space<hbm>>
    %dma_start3A_48 = arith.constant 0 : i32
    %dma_start3A_49 = tpu.memref_slice %arg4[%add3A_40, %dma_start3A_48] : memref<32768x128xf32, #tpu.memory_space<hbm>> -> memref<128x128xf32, #tpu.memory_space<hbm>>
    %dma_start3A_50 = arith.constant 0 : i32
    %dma_start3A_51 = arith.constant 0 : i32
    %dma_start3A_52 = tpu.memref_slice %arg6[%dma_start3A_41, %dma_start3A_50, %dma_start3A_51] : memref<2x128x128xf32, #tpu.memory_space<vmem>> -> memref<1x128x128xf32, #tpu.memory_space<vmem>>
    %dma_start3A_53 = tpu.memref_squeeze %dma_start3A_52 : memref<1x128x128xf32, #tpu.memory_space<vmem>> -> memref<128x128xf32, #tpu.memory_space<vmem>>
    tpu.enqueue_dma source(%dma_start3A_53 : memref<128x128xf32, #tpu.memory_space<vmem>>) target(%dma_start3A_49 : memref<128x128xf32, #tpu.memory_space<hbm>>) target_semaphore(%arg9 : memref<!tpu.dma_semaphore, #tpu.memory_space<semaphore_mem>>)
    %dma_wait3A_54 = arith.constant 0 : i32
    %dma_wait3A_55 = arith.constant 0 : i32
    %dma_wait3A_56 = arith.constant 0 : i32
    %dma_wait3A_57 = tpu.memref_slice %arg6[%dma_wait3A_54, %dma_wait3A_55, %dma_wait3A_56] : memref<2x128x128xf32, #tpu.memory_space<vmem>> -> memref<1x128x128xf32, #tpu.memory_space<vmem>>
    %dma_wait3A_58 = tpu.memref_squeeze %dma_wait3A_57 : memref<1x128x128xf32, #tpu.memory_space<vmem>> -> memref<128x128xf32, #tpu.memory_space<vmem>>
    %dma_wait3A_59 = arith.constant 0 : i32
    %dma_wait3A_60 = tpu.memref_slice %arg4[%add3A_40, %dma_wait3A_59] : memref<32768x128xf32, #tpu.memory_space<hbm>> -> memref<128x128xf32, #tpu.memory_space<hbm>>
    %dma_wait3A_61 = arith.constant 0 : i32
    %dma_wait3A_62 = tpu.memref_slice %arg4[%add3A_40, %dma_wait3A_61] : memref<32768x128xf32, #tpu.memory_space<hbm>> -> memref<128x128xf32, #tpu.memory_space<hbm>>
    %dma_wait3A_63 = arith.constant 0 : i32
    %dma_wait3A_64 = arith.constant 0 : i32
    %dma_wait3A_65 = tpu.memref_slice %arg6[%dma_wait3A_54, %dma_wait3A_63, %dma_wait3A_64] : memref<2x128x128xf32, #tpu.memory_space<vmem>> -> memref<1x128x128xf32, #tpu.memory_space<vmem>>
    %dma_wait3A_66 = tpu.memref_squeeze %dma_wait3A_65 : memref<1x128x128xf32, #tpu.memory_space<vmem>> -> memref<128x128xf32, #tpu.memory_space<vmem>>
    tpu.wait_dma2 semaphore(%arg9 : memref<!tpu.dma_semaphore, #tpu.memory_space<semaphore_mem>>) src(%dma_wait3A_66 : memref<128x128xf32, #tpu.memory_space<vmem>>) dst(%dma_wait3A_62 : memref<128x128xf32, #tpu.memory_space<hbm>>)
    %dma_start3A_67 = arith.constant 2 : i32
    %dma_start3A_68 = arith.constant 0 : i32
    %dma_start3A_69 = arith.constant 0 : i32
    %dma_start3A_70 = arith.constant 0 : i32
    %dma_start3A_71 = tpu.memref_slice %arg6[%dma_start3A_68, %dma_start3A_69, %dma_start3A_70] : memref<2x128x128xf32, #tpu.memory_space<vmem>> -> memref<1x128x128xf32, #tpu.memory_space<vmem>>
    %dma_start3A_72 = tpu.memref_squeeze %dma_start3A_71 : memref<1x128x128xf32, #tpu.memory_space<vmem>> -> memref<128x128xf32, #tpu.memory_space<vmem>>
    %dma_start3A_73 = arith.constant 0 : i32
    %dma_start3A_74 = tpu.memref_slice %arg5[%dma_start3A_67, %dma_start3A_73] : memref<8x128xi32, #tpu.memory_space<vmem>> -> memref<1x128xi32, #tpu.memory_space<vmem>>
    %dma_start3A_75 = tpu.memref_squeeze %dma_start3A_74 : memref<1x128xi32, #tpu.memory_space<vmem>> -> memref<128xi32, #tpu.memory_space<vmem>>
    %dma_start3A_76 = arith.constant 0 : i32
    %dma_start3A_77 = arith.constant 0 : i32
    %dma_start3A_78 = tpu.memref_slice %arg2[%dma_start3A_76, %dma_start3A_77] : memref<262144x128xf32, #tpu.memory_space<hbm>> -> memref<262144x128xf32, #tpu.memory_space<hbm>>
    tpu.enqueue_indirect_dma source(%dma_start3A_78 : memref<262144x128xf32, #tpu.memory_space<hbm>>) target(%dma_start3A_72 : memref<128x128xf32, #tpu.memory_space<vmem>>) offsets(%dma_start3A_75 : memref<128xi32, #tpu.memory_space<vmem>>) semaphore(%arg7 : memref<!tpu.dma_semaphore, #tpu.memory_space<semaphore_mem>>)
    %dma_wait3A_79 = arith.constant 1 : i32
    %dma_wait3A_80 = arith.constant 1 : i32
    %dma_wait3A_81 = arith.constant 0 : i32
    %dma_wait3A_82 = arith.constant 0 : i32
    %dma_wait3A_83 = tpu.memref_slice %arg6[%dma_wait3A_80, %dma_wait3A_81, %dma_wait3A_82] : memref<2x128x128xf32, #tpu.memory_space<vmem>> -> memref<1x128x128xf32, #tpu.memory_space<vmem>>
    %dma_wait3A_84 = tpu.memref_squeeze %dma_wait3A_83 : memref<1x128x128xf32, #tpu.memory_space<vmem>> -> memref<128x128xf32, #tpu.memory_space<vmem>>
    %dma_wait3A_85 = arith.constant 0 : i32
    %dma_wait3A_86 = tpu.memref_slice %arg5[%dma_wait3A_79, %dma_wait3A_85] : memref<8x128xi32, #tpu.memory_space<vmem>> -> memref<1x128xi32, #tpu.memory_space<vmem>>
    %dma_wait3A_87 = tpu.memref_squeeze %dma_wait3A_86 : memref<1x128xi32, #tpu.memory_space<vmem>> -> memref<128xi32, #tpu.memory_space<vmem>>
    %dma_wait3A_88 = arith.constant 0 : i32
    %dma_wait3A_89 = arith.constant 0 : i32
    %dma_wait3A_90 = tpu.memref_slice %arg2[%dma_wait3A_88, %dma_wait3A_89] : memref<262144x128xf32, #tpu.memory_space<hbm>> -> memref<262144x128xf32, #tpu.memory_space<hbm>>
    tpu.wait_indirect_dma semaphore(%arg8 : memref<!tpu.dma_semaphore, #tpu.memory_space<semaphore_mem>>) src(%dma_wait3A_90 : memref<262144x128xf32, #tpu.memory_space<hbm>>) dst(%dma_wait3A_84 : memref<128x128xf32, #tpu.memory_space<vmem>>)
    %add3A_91 = arith.constant 128 : i32
    %add3A_92 = arith.addi %mul3A_4, %add3A_91 : i32
    %dma_start3A_93 = arith.constant 1 : i32
    %dma_start3A_94 = arith.constant 0 : i32
    %dma_start3A_95 = arith.constant 0 : i32
    %dma_start3A_96 = tpu.memref_slice %arg6[%dma_start3A_93, %dma_start3A_94, %dma_start3A_95] : memref<2x128x128xf32, #tpu.memory_space<vmem>> -> memref<1x128x128xf32, #tpu.memory_space<vmem>>
    %dma_start3A_97 = tpu.memref_squeeze %dma_start3A_96 : memref<1x128x128xf32, #tpu.memory_space<vmem>> -> memref<128x128xf32, #tpu.memory_space<vmem>>
    %dma_start3A_98 = arith.constant 0 : i32
    %dma_start3A_99 = tpu.memref_slice %arg4[%add3A_92, %dma_start3A_98] : memref<32768x128xf32, #tpu.memory_space<hbm>> -> memref<128x128xf32, #tpu.memory_space<hbm>>
    %dma_start3A_100 = arith.constant 0 : i32
    %dma_start3A_101 = tpu.memref_slice %arg4[%add3A_92, %dma_start3A_100] : memref<32768x128xf32, #tpu.memory_space<hbm>> -> memref<128x128xf32, #tpu.memory_space<hbm>>
    %dma_start3A_102 = arith.constant 0 : i32
    %dma_start3A_103 = arith.constant 0 : i32
    %dma_start3A_104 = tpu.memref_slice %arg6[%dma_start3A_93, %dma_start3A_102, %dma_start3A_103] : memref<2x128x128xf32, #tpu.memory_space<vmem>> -> memref<1x128x128xf32, #tpu.memory_space<vmem>>
    %dma_start3A_105 = tpu.memref_squeeze %dma_start3A_104 : memref<1x128x128xf32, #tpu.memory_space<vmem>> -> memref<128x128xf32, #tpu.memory_space<vmem>>
    tpu.enqueue_dma source(%dma_start3A_105 : memref<128x128xf32, #tpu.memory_space<vmem>>) target(%dma_start3A_101 : memref<128x128xf32, #tpu.memory_space<hbm>>) target_semaphore(%arg10 : memref<!tpu.dma_semaphore, #tpu.memory_space<semaphore_mem>>)
    %dma_wait3A_106 = arith.constant 1 : i32
    %dma_wait3A_107 = arith.constant 0 : i32
    %dma_wait3A_108 = arith.constant 0 : i32
    %dma_wait3A_109 = tpu.memref_slice %arg6[%dma_wait3A_106, %dma_wait3A_107, %dma_wait3A_108] : memref<2x128x128xf32, #tpu.memory_space<vmem>> -> memref<1x128x128xf32, #tpu.memory_space<vmem>>
    %dma_wait3A_110 = tpu.memref_squeeze %dma_wait3A_109 : memref<1x128x128xf32, #tpu.memory_space<vmem>> -> memref<128x128xf32, #tpu.memory_space<vmem>>
    %dma_wait3A_111 = arith.constant 0 : i32
    %dma_wait3A_112 = tpu.memref_slice %arg4[%add3A_92, %dma_wait3A_111] : memref<32768x128xf32, #tpu.memory_space<hbm>> -> memref<128x128xf32, #tpu.memory_space<hbm>>
    %dma_wait3A_113 = arith.constant 0 : i32
    %dma_wait3A_114 = tpu.memref_slice %arg4[%add3A_92, %dma_wait3A_113] : memref<32768x128xf32, #tpu.memory_space<hbm>> -> memref<128x128xf32, #tpu.memory_space<hbm>>
    %dma_wait3A_115 = arith.constant 0 : i32
    %dma_wait3A_116 = arith.constant 0 : i32
    %dma_wait3A_117 = tpu.memref_slice %arg6[%dma_wait3A_106, %dma_wait3A_115, %dma_wait3A_116] : memref<2x128x128xf32, #tpu.memory_space<vmem>> -> memref<1x128x128xf32, #tpu.memory_space<vmem>>
    %dma_wait3A_118 = tpu.memref_squeeze %dma_wait3A_117 : memref<1x128x128xf32, #tpu.memory_space<vmem>> -> memref<128x128xf32, #tpu.memory_space<vmem>>
    tpu.wait_dma2 semaphore(%arg10 : memref<!tpu.dma_semaphore, #tpu.memory_space<semaphore_mem>>) src(%dma_wait3A_118 : memref<128x128xf32, #tpu.memory_space<vmem>>) dst(%dma_wait3A_114 : memref<128x128xf32, #tpu.memory_space<hbm>>)
    %dma_start3A_119 = arith.constant 3 : i32
    %dma_start3A_120 = arith.constant 1 : i32
    %dma_start3A_121 = arith.constant 0 : i32
    %dma_start3A_122 = arith.constant 0 : i32
    %dma_start3A_123 = tpu.memref_slice %arg6[%dma_start3A_120, %dma_start3A_121, %dma_start3A_122] : memref<2x128x128xf32, #tpu.memory_space<vmem>> -> memref<1x128x128xf32, #tpu.memory_space<vmem>>
    %dma_start3A_124 = tpu.memref_squeeze %dma_start3A_123 : memref<1x128x128xf32, #tpu.memory_space<vmem>> -> memref<128x128xf32, #tpu.memory_space<vmem>>
    %dma_start3A_125 = arith.constant 0 : i32
    %dma_start3A_126 = tpu.memref_slice %arg5[%dma_start3A_119, %dma_start3A_125] : memref<8x128xi32, #tpu.memory_space<vmem>> -> memref<1x128xi32, #tpu.memory_space<vmem>>
    %dma_start3A_127 = tpu.memref_squeeze %dma_start3A_126 : memref<1x128xi32, #tpu.memory_space<vmem>> -> memref<128xi32, #tpu.memory_space<vmem>>
    %dma_start3A_128 = arith.constant 0 : i32
    %dma_start3A_129 = arith.constant 0 : i32
    %dma_start3A_130 = tpu.memref_slice %arg2[%dma_start3A_128, %dma_start3A_129] : memref<262144x128xf32, #tpu.memory_space<hbm>> -> memref<262144x128xf32, #tpu.memory_space<hbm>>
    tpu.enqueue_indirect_dma source(%dma_start3A_130 : memref<262144x128xf32, #tpu.memory_space<hbm>>) target(%dma_start3A_124 : memref<128x128xf32, #tpu.memory_space<vmem>>) offsets(%dma_start3A_127 : memref<128xi32, #tpu.memory_space<vmem>>) semaphore(%arg8 : memref<!tpu.dma_semaphore, #tpu.memory_space<semaphore_mem>>)
    %dma_wait3A_131 = arith.constant 2 : i32
    %dma_wait3A_132 = arith.constant 0 : i32
    %dma_wait3A_133 = arith.constant 0 : i32
    %dma_wait3A_134 = arith.constant 0 : i32
    %dma_wait3A_135 = tpu.memref_slice %arg6[%dma_wait3A_132, %dma_wait3A_133, %dma_wait3A_134] : memref<2x128x128xf32, #tpu.memory_space<vmem>> -> memref<1x128x128xf32, #tpu.memory_space<vmem>>
    %dma_wait3A_136 = tpu.memref_squeeze %dma_wait3A_135 : memref<1x128x128xf32, #tpu.memory_space<vmem>> -> memref<128x128xf32, #tpu.memory_space<vmem>>
    %dma_wait3A_137 = arith.constant 0 : i32
    %dma_wait3A_138 = tpu.memref_slice %arg5[%dma_wait3A_131, %dma_wait3A_137] : memref<8x128xi32, #tpu.memory_space<vmem>> -> memref<1x128xi32, #tpu.memory_space<vmem>>
    %dma_wait3A_139 = tpu.memref_squeeze %dma_wait3A_138 : memref<1x128xi32, #tpu.memory_space<vmem>> -> memref<128xi32, #tpu.memory_space<vmem>>
    %dma_wait3A_140 = arith.constant 0 : i32
    %dma_wait3A_141 = arith.constant 0 : i32
    %dma_wait3A_142 = tpu.memref_slice %arg2[%dma_wait3A_140, %dma_wait3A_141] : memref<262144x128xf32, #tpu.memory_space<hbm>> -> memref<262144x128xf32, #tpu.memory_space<hbm>>
    tpu.wait_indirect_dma semaphore(%arg7 : memref<!tpu.dma_semaphore, #tpu.memory_space<semaphore_mem>>) src(%dma_wait3A_142 : memref<262144x128xf32, #tpu.memory_space<hbm>>) dst(%dma_wait3A_136 : memref<128x128xf32, #tpu.memory_space<vmem>>)
    %add3A_143 = arith.constant 256 : i32
    %add3A_144 = arith.addi %mul3A_4, %add3A_143 : i32
    %dma_start3A_145 = arith.constant 0 : i32
    %dma_start3A_146 = arith.constant 0 : i32
    %dma_start3A_147 = arith.constant 0 : i32
    %dma_start3A_148 = tpu.memref_slice %arg6[%dma_start3A_145, %dma_start3A_146, %dma_start3A_147] : memref<2x128x128xf32, #tpu.memory_space<vmem>> -> memref<1x128x128xf32, #tpu.memory_space<vmem>>
    %dma_start3A_149 = tpu.memref_squeeze %dma_start3A_148 : memref<1x128x128xf32, #tpu.memory_space<vmem>> -> memref<128x128xf32, #tpu.memory_space<vmem>>
    %dma_start3A_150 = arith.constant 0 : i32
    %dma_start3A_151 = tpu.memref_slice %arg4[%add3A_144, %dma_start3A_150] : memref<32768x128xf32, #tpu.memory_space<hbm>> -> memref<128x128xf32, #tpu.memory_space<hbm>>
    %dma_start3A_152 = arith.constant 0 : i32
    %dma_start3A_153 = tpu.memref_slice %arg4[%add3A_144, %dma_start3A_152] : memref<32768x128xf32, #tpu.memory_space<hbm>> -> memref<128x128xf32, #tpu.memory_space<hbm>>
    %dma_start3A_154 = arith.constant 0 : i32
    %dma_start3A_155 = arith.constant 0 : i32
    %dma_start3A_156 = tpu.memref_slice %arg6[%dma_start3A_145, %dma_start3A_154, %dma_start3A_155] : memref<2x128x128xf32, #tpu.memory_space<vmem>> -> memref<1x128x128xf32, #tpu.memory_space<vmem>>
    %dma_start3A_157 = tpu.memref_squeeze %dma_start3A_156 : memref<1x128x128xf32, #tpu.memory_space<vmem>> -> memref<128x128xf32, #tpu.memory_space<vmem>>
    tpu.enqueue_dma source(%dma_start3A_157 : memref<128x128xf32, #tpu.memory_space<vmem>>) target(%dma_start3A_153 : memref<128x128xf32, #tpu.memory_space<hbm>>) target_semaphore(%arg9 : memref<!tpu.dma_semaphore, #tpu.memory_space<semaphore_mem>>)
    %dma_wait3A_158 = arith.constant 0 : i32
    %dma_wait3A_159 = arith.constant 0 : i32
    %dma_wait3A_160 = arith.constant 0 : i32
    %dma_wait3A_161 = tpu.memref_slice %arg6[%dma_wait3A_158, %dma_wait3A_159, %dma_wait3A_160] : memref<2x128x128xf32, #tpu.memory_space<vmem>> -> memref<1x128x128xf32, #tpu.memory_space<vmem>>
    %dma_wait3A_162 = tpu.memref_squeeze %dma_wait3A_161 : memref<1x128x128xf32, #tpu.memory_space<vmem>> -> memref<128x128xf32, #tpu.memory_space<vmem>>
    %dma_wait3A_163 = arith.constant 0 : i32
    %dma_wait3A_164 = tpu.memref_slice %arg4[%add3A_144, %dma_wait3A_163] : memref<32768x128xf32, #tpu.memory_space<hbm>> -> memref<128x128xf32, #tpu.memory_space<hbm>>
    %dma_wait3A_165 = arith.constant 0 : i32
    %dma_wait3A_166 = tpu.memref_slice %arg4[%add3A_144, %dma_wait3A_165] : memref<32768x128xf32, #tpu.memory_space<hbm>> -> memref<128x128xf32, #tpu.memory_space<hbm>>
    %dma_wait3A_167 = arith.constant 0 : i32
    %dma_wait3A_168 = arith.constant 0 : i32
    %dma_wait3A_169 = tpu.memref_slice %arg6[%dma_wait3A_158, %dma_wait3A_167, %dma_wait3A_168] : memref<2x128x128xf32, #tpu.memory_space<vmem>> -> memref<1x128x128xf32, #tpu.memory_space<vmem>>
    %dma_wait3A_170 = tpu.memref_squeeze %dma_wait3A_169 : memref<1x128x128xf32, #tpu.memory_space<vmem>> -> memref<128x128xf32, #tpu.memory_space<vmem>>
    tpu.wait_dma2 semaphore(%arg9 : memref<!tpu.dma_semaphore, #tpu.memory_space<semaphore_mem>>) src(%dma_wait3A_170 : memref<128x128xf32, #tpu.memory_space<vmem>>) dst(%dma_wait3A_166 : memref<128x128xf32, #tpu.memory_space<hbm>>)
    %dma_start3A_171 = arith.constant 4 : i32
    %dma_start3A_172 = arith.constant 0 : i32
    %dma_start3A_173 = arith.constant 0 : i32
    %dma_start3A_174 = arith.constant 0 : i32
    %dma_start3A_175 = tpu.memref_slice %arg6[%dma_start3A_172, %dma_start3A_173, %dma_start3A_174] : memref<2x128x128xf32, #tpu.memory_space<vmem>> -> memref<1x128x128xf32, #tpu.memory_space<vmem>>
    %dma_start3A_176 = tpu.memref_squeeze %dma_start3A_175 : memref<1x128x128xf32, #tpu.memory_space<vmem>> -> memref<128x128xf32, #tpu.memory_space<vmem>>
    %dma_start3A_177 = arith.constant 0 : i32
    %dma_start3A_178 = tpu.memref_slice %arg5[%dma_start3A_171, %dma_start3A_177] : memref<8x128xi32, #tpu.memory_space<vmem>> -> memref<1x128xi32, #tpu.memory_space<vmem>>
    %dma_start3A_179 = tpu.memref_squeeze %dma_start3A_178 : memref<1x128xi32, #tpu.memory_space<vmem>> -> memref<128xi32, #tpu.memory_space<vmem>>
    %dma_start3A_180 = arith.constant 0 : i32
    %dma_start3A_181 = arith.constant 0 : i32
    %dma_start3A_182 = tpu.memref_slice %arg2[%dma_start3A_180, %dma_start3A_181] : memref<262144x128xf32, #tpu.memory_space<hbm>> -> memref<262144x128xf32, #tpu.memory_space<hbm>>
    tpu.enqueue_indirect_dma source(%dma_start3A_182 : memref<262144x128xf32, #tpu.memory_space<hbm>>) target(%dma_start3A_176 : memref<128x128xf32, #tpu.memory_space<vmem>>) offsets(%dma_start3A_179 : memref<128xi32, #tpu.memory_space<vmem>>) semaphore(%arg7 : memref<!tpu.dma_semaphore, #tpu.memory_space<semaphore_mem>>)
    %dma_wait3A_183 = arith.constant 3 : i32
    %dma_wait3A_184 = arith.constant 1 : i32
    %dma_wait3A_185 = arith.constant 0 : i32
    %dma_wait3A_186 = arith.constant 0 : i32
    %dma_wait3A_187 = tpu.memref_slice %arg6[%dma_wait3A_184, %dma_wait3A_185, %dma_wait3A_186] : memref<2x128x128xf32, #tpu.memory_space<vmem>> -> memref<1x128x128xf32, #tpu.memory_space<vmem>>
    %dma_wait3A_188 = tpu.memref_squeeze %dma_wait3A_187 : memref<1x128x128xf32, #tpu.memory_space<vmem>> -> memref<128x128xf32, #tpu.memory_space<vmem>>
    %dma_wait3A_189 = arith.constant 0 : i32
    %dma_wait3A_190 = tpu.memref_slice %arg5[%dma_wait3A_183, %dma_wait3A_189] : memref<8x128xi32, #tpu.memory_space<vmem>> -> memref<1x128xi32, #tpu.memory_space<vmem>>
    %dma_wait3A_191 = tpu.memref_squeeze %dma_wait3A_190 : memref<1x128xi32, #tpu.memory_space<vmem>> -> memref<128xi32, #tpu.memory_space<vmem>>
    %dma_wait3A_192 = arith.constant 0 : i32
    %dma_wait3A_193 = arith.constant 0 : i32
    %dma_wait3A_194 = tpu.memref_slice %arg2[%dma_wait3A_192, %dma_wait3A_193] : memref<262144x128xf32, #tpu.memory_space<hbm>> -> memref<262144x128xf32, #tpu.memory_space<hbm>>
    tpu.wait_indirect_dma semaphore(%arg8 : memref<!tpu.dma_semaphore, #tpu.memory_space<semaphore_mem>>) src(%dma_wait3A_194 : memref<262144x128xf32, #tpu.memory_space<hbm>>) dst(%dma_wait3A_188 : memref<128x128xf32, #tpu.memory_space<vmem>>)
    %add3A_195 = arith.constant 384 : i32
    %add3A_196 = arith.addi %mul3A_4, %add3A_195 : i32
    %dma_start3A_197 = arith.constant 1 : i32
    %dma_start3A_198 = arith.constant 0 : i32
    %dma_start3A_199 = arith.constant 0 : i32
    %dma_start3A_200 = tpu.memref_slice %arg6[%dma_start3A_197, %dma_start3A_198, %dma_start3A_199] : memref<2x128x128xf32, #tpu.memory_space<vmem>> -> memref<1x128x128xf32, #tpu.memory_space<vmem>>
    %dma_start3A_201 = tpu.memref_squeeze %dma_start3A_200 : memref<1x128x128xf32, #tpu.memory_space<vmem>> -> memref<128x128xf32, #tpu.memory_space<vmem>>
    %dma_start3A_202 = arith.constant 0 : i32
    %dma_start3A_203 = tpu.memref_slice %arg4[%add3A_196, %dma_start3A_202] : memref<32768x128xf32, #tpu.memory_space<hbm>> -> memref<128x128xf32, #tpu.memory_space<hbm>>
    %dma_start3A_204 = arith.constant 0 : i32
    %dma_start3A_205 = tpu.memref_slice %arg4[%add3A_196, %dma_start3A_204] : memref<32768x128xf32, #tpu.memory_space<hbm>> -> memref<128x128xf32, #tpu.memory_space<hbm>>
    %dma_start3A_206 = arith.constant 0 : i32
    %dma_start3A_207 = arith.constant 0 : i32
    %dma_start3A_208 = tpu.memref_slice %arg6[%dma_start3A_197, %dma_start3A_206, %dma_start3A_207] : memref<2x128x128xf32, #tpu.memory_space<vmem>> -> memref<1x128x128xf32, #tpu.memory_space<vmem>>
    %dma_start3A_209 = tpu.memref_squeeze %dma_start3A_208 : memref<1x128x128xf32, #tpu.memory_space<vmem>> -> memref<128x128xf32, #tpu.memory_space<vmem>>
    tpu.enqueue_dma source(%dma_start3A_209 : memref<128x128xf32, #tpu.memory_space<vmem>>) target(%dma_start3A_205 : memref<128x128xf32, #tpu.memory_space<hbm>>) target_semaphore(%arg10 : memref<!tpu.dma_semaphore, #tpu.memory_space<semaphore_mem>>)
    %dma_wait3A_210 = arith.constant 1 : i32
    %dma_wait3A_211 = arith.constant 0 : i32
    %dma_wait3A_212 = arith.constant 0 : i32
    %dma_wait3A_213 = tpu.memref_slice %arg6[%dma_wait3A_210, %dma_wait3A_211, %dma_wait3A_212] : memref<2x128x128xf32, #tpu.memory_space<vmem>> -> memref<1x128x128xf32, #tpu.memory_space<vmem>>
    %dma_wait3A_214 = tpu.memref_squeeze %dma_wait3A_213 : memref<1x128x128xf32, #tpu.memory_space<vmem>> -> memref<128x128xf32, #tpu.memory_space<vmem>>
    %dma_wait3A_215 = arith.constant 0 : i32
    %dma_wait3A_216 = tpu.memref_slice %arg4[%add3A_196, %dma_wait3A_215] : memref<32768x128xf32, #tpu.memory_space<hbm>> -> memref<128x128xf32, #tpu.memory_space<hbm>>
    %dma_wait3A_217 = arith.constant 0 : i32
    %dma_wait3A_218 = tpu.memref_slice %arg4[%add3A_196, %dma_wait3A_217] : memref<32768x128xf32, #tpu.memory_space<hbm>> -> memref<128x128xf32, #tpu.memory_space<hbm>>
    %dma_wait3A_219 = arith.constant 0 : i32
    %dma_wait3A_220 = arith.constant 0 : i32
    %dma_wait3A_221 = tpu.memref_slice %arg6[%dma_wait3A_210, %dma_wait3A_219, %dma_wait3A_220] : memref<2x128x128xf32, #tpu.memory_space<vmem>> -> memref<1x128x128xf32, #tpu.memory_space<vmem>>
    %dma_wait3A_222 = tpu.memref_squeeze %dma_wait3A_221 : memref<1x128x128xf32, #tpu.memory_space<vmem>> -> memref<128x128xf32, #tpu.memory_space<vmem>>
    tpu.wait_dma2 semaphore(%arg10 : memref<!tpu.dma_semaphore, #tpu.memory_space<semaphore_mem>>) src(%dma_wait3A_222 : memref<128x128xf32, #tpu.memory_space<vmem>>) dst(%dma_wait3A_218 : memref<128x128xf32, #tpu.memory_space<hbm>>)
    %dma_start3A_223 = arith.constant 5 : i32
    %dma_start3A_224 = arith.constant 1 : i32
    %dma_start3A_225 = arith.constant 0 : i32
    %dma_start3A_226 = arith.constant 0 : i32
    %dma_start3A_227 = tpu.memref_slice %arg6[%dma_start3A_224, %dma_start3A_225, %dma_start3A_226] : memref<2x128x128xf32, #tpu.memory_space<vmem>> -> memref<1x128x128xf32, #tpu.memory_space<vmem>>
    %dma_start3A_228 = tpu.memref_squeeze %dma_start3A_227 : memref<1x128x128xf32, #tpu.memory_space<vmem>> -> memref<128x128xf32, #tpu.memory_space<vmem>>
    %dma_start3A_229 = arith.constant 0 : i32
    %dma_start3A_230 = tpu.memref_slice %arg5[%dma_start3A_223, %dma_start3A_229] : memref<8x128xi32, #tpu.memory_space<vmem>> -> memref<1x128xi32, #tpu.memory_space<vmem>>
    %dma_start3A_231 = tpu.memref_squeeze %dma_start3A_230 : memref<1x128xi32, #tpu.memory_space<vmem>> -> memref<128xi32, #tpu.memory_space<vmem>>
    %dma_start3A_232 = arith.constant 0 : i32
    %dma_start3A_233 = arith.constant 0 : i32
    %dma_start3A_234 = tpu.memref_slice %arg2[%dma_start3A_232, %dma_start3A_233] : memref<262144x128xf32, #tpu.memory_space<hbm>> -> memref<262144x128xf32, #tpu.memory_space<hbm>>
    tpu.enqueue_indirect_dma source(%dma_start3A_234 : memref<262144x128xf32, #tpu.memory_space<hbm>>) target(%dma_start3A_228 : memref<128x128xf32, #tpu.memory_space<vmem>>) offsets(%dma_start3A_231 : memref<128xi32, #tpu.memory_space<vmem>>) semaphore(%arg8 : memref<!tpu.dma_semaphore, #tpu.memory_space<semaphore_mem>>)
    %dma_wait3A_235 = arith.constant 4 : i32
    %dma_wait3A_236 = arith.constant 0 : i32
    %dma_wait3A_237 = arith.constant 0 : i32
    %dma_wait3A_238 = arith.constant 0 : i32
    %dma_wait3A_239 = tpu.memref_slice %arg6[%dma_wait3A_236, %dma_wait3A_237, %dma_wait3A_238] : memref<2x128x128xf32, #tpu.memory_space<vmem>> -> memref<1x128x128xf32, #tpu.memory_space<vmem>>
    %dma_wait3A_240 = tpu.memref_squeeze %dma_wait3A_239 : memref<1x128x128xf32, #tpu.memory_space<vmem>> -> memref<128x128xf32, #tpu.memory_space<vmem>>
    %dma_wait3A_241 = arith.constant 0 : i32
    %dma_wait3A_242 = tpu.memref_slice %arg5[%dma_wait3A_235, %dma_wait3A_241] : memref<8x128xi32, #tpu.memory_space<vmem>> -> memref<1x128xi32, #tpu.memory_space<vmem>>
    %dma_wait3A_243 = tpu.memref_squeeze %dma_wait3A_242 : memref<1x128xi32, #tpu.memory_space<vmem>> -> memref<128xi32, #tpu.memory_space<vmem>>
    %dma_wait3A_244 = arith.constant 0 : i32
    %dma_wait3A_245 = arith.constant 0 : i32
    %dma_wait3A_246 = tpu.memref_slice %arg2[%dma_wait3A_244, %dma_wait3A_245] : memref<262144x128xf32, #tpu.memory_space<hbm>> -> memref<262144x128xf32, #tpu.memory_space<hbm>>
    tpu.wait_indirect_dma semaphore(%arg7 : memref<!tpu.dma_semaphore, #tpu.memory_space<semaphore_mem>>) src(%dma_wait3A_246 : memref<262144x128xf32, #tpu.memory_space<hbm>>) dst(%dma_wait3A_240 : memref<128x128xf32, #tpu.memory_space<vmem>>)
    %add3A_247 = arith.constant 512 : i32
    %add3A_248 = arith.addi %mul3A_4, %add3A_247 : i32
    %dma_start3A_249 = arith.constant 0 : i32
    %dma_start3A_250 = arith.constant 0 : i32
    %dma_start3A_251 = arith.constant 0 : i32
    %dma_start3A_252 = tpu.memref_slice %arg6[%dma_start3A_249, %dma_start3A_250, %dma_start3A_251] : memref<2x128x128xf32, #tpu.memory_space<vmem>> -> memref<1x128x128xf32, #tpu.memory_space<vmem>>
    %dma_start3A_253 = tpu.memref_squeeze %dma_start3A_252 : memref<1x128x128xf32, #tpu.memory_space<vmem>> -> memref<128x128xf32, #tpu.memory_space<vmem>>
    %dma_start3A_254 = arith.constant 0 : i32
    %dma_start3A_255 = tpu.memref_slice %arg4[%add3A_248, %dma_start3A_254] : memref<32768x128xf32, #tpu.memory_space<hbm>> -> memref<128x128xf32, #tpu.memory_space<hbm>>
    %dma_start3A_256 = arith.constant 0 : i32
    %dma_start3A_257 = tpu.memref_slice %arg4[%add3A_248, %dma_start3A_256] : memref<32768x128xf32, #tpu.memory_space<hbm>> -> memref<128x128xf32, #tpu.memory_space<hbm>>
    %dma_start3A_258 = arith.constant 0 : i32
    %dma_start3A_259 = arith.constant 0 : i32
    %dma_start3A_260 = tpu.memref_slice %arg6[%dma_start3A_249, %dma_start3A_258, %dma_start3A_259] : memref<2x128x128xf32, #tpu.memory_space<vmem>> -> memref<1x128x128xf32, #tpu.memory_space<vmem>>
    %dma_start3A_261 = tpu.memref_squeeze %dma_start3A_260 : memref<1x128x128xf32, #tpu.memory_space<vmem>> -> memref<128x128xf32, #tpu.memory_space<vmem>>
    tpu.enqueue_dma source(%dma_start3A_261 : memref<128x128xf32, #tpu.memory_space<vmem>>) target(%dma_start3A_257 : memref<128x128xf32, #tpu.memory_space<hbm>>) target_semaphore(%arg9 : memref<!tpu.dma_semaphore, #tpu.memory_space<semaphore_mem>>)
    %dma_wait3A_262 = arith.constant 0 : i32
    %dma_wait3A_263 = arith.constant 0 : i32
    %dma_wait3A_264 = arith.constant 0 : i32
    %dma_wait3A_265 = tpu.memref_slice %arg6[%dma_wait3A_262, %dma_wait3A_263, %dma_wait3A_264] : memref<2x128x128xf32, #tpu.memory_space<vmem>> -> memref<1x128x128xf32, #tpu.memory_space<vmem>>
    %dma_wait3A_266 = tpu.memref_squeeze %dma_wait3A_265 : memref<1x128x128xf32, #tpu.memory_space<vmem>> -> memref<128x128xf32, #tpu.memory_space<vmem>>
    %dma_wait3A_267 = arith.constant 0 : i32
    %dma_wait3A_268 = tpu.memref_slice %arg4[%add3A_248, %dma_wait3A_267] : memref<32768x128xf32, #tpu.memory_space<hbm>> -> memref<128x128xf32, #tpu.memory_space<hbm>>
    %dma_wait3A_269 = arith.constant 0 : i32
    %dma_wait3A_270 = tpu.memref_slice %arg4[%add3A_248, %dma_wait3A_269] : memref<32768x128xf32, #tpu.memory_space<hbm>> -> memref<128x128xf32, #tpu.memory_space<hbm>>
    %dma_wait3A_271 = arith.constant 0 : i32
    %dma_wait3A_272 = arith.constant 0 : i32
    %dma_wait3A_273 = tpu.memref_slice %arg6[%dma_wait3A_262, %dma_wait3A_271, %dma_wait3A_272] : memref<2x128x128xf32, #tpu.memory_space<vmem>> -> memref<1x128x128xf32, #tpu.memory_space<vmem>>
    %dma_wait3A_274 = tpu.memref_squeeze %dma_wait3A_273 : memref<1x128x128xf32, #tpu.memory_space<vmem>> -> memref<128x128xf32, #tpu.memory_space<vmem>>
    tpu.wait_dma2 semaphore(%arg9 : memref<!tpu.dma_semaphore, #tpu.memory_space<semaphore_mem>>) src(%dma_wait3A_274 : memref<128x128xf32, #tpu.memory_space<vmem>>) dst(%dma_wait3A_270 : memref<128x128xf32, #tpu.memory_space<hbm>>)
    %dma_start3A_275 = arith.constant 6 : i32
    %dma_start3A_276 = arith.constant 0 : i32
    %dma_start3A_277 = arith.constant 0 : i32
    %dma_start3A_278 = arith.constant 0 : i32
    %dma_start3A_279 = tpu.memref_slice %arg6[%dma_start3A_276, %dma_start3A_277, %dma_start3A_278] : memref<2x128x128xf32, #tpu.memory_space<vmem>> -> memref<1x128x128xf32, #tpu.memory_space<vmem>>
    %dma_start3A_280 = tpu.memref_squeeze %dma_start3A_279 : memref<1x128x128xf32, #tpu.memory_space<vmem>> -> memref<128x128xf32, #tpu.memory_space<vmem>>
    %dma_start3A_281 = arith.constant 0 : i32
    %dma_start3A_282 = tpu.memref_slice %arg5[%dma_start3A_275, %dma_start3A_281] : memref<8x128xi32, #tpu.memory_space<vmem>> -> memref<1x128xi32, #tpu.memory_space<vmem>>
    %dma_start3A_283 = tpu.memref_squeeze %dma_start3A_282 : memref<1x128xi32, #tpu.memory_space<vmem>> -> memref<128xi32, #tpu.memory_space<vmem>>
    %dma_start3A_284 = arith.constant 0 : i32
    %dma_start3A_285 = arith.constant 0 : i32
    %dma_start3A_286 = tpu.memref_slice %arg2[%dma_start3A_284, %dma_start3A_285] : memref<262144x128xf32, #tpu.memory_space<hbm>> -> memref<262144x128xf32, #tpu.memory_space<hbm>>
    tpu.enqueue_indirect_dma source(%dma_start3A_286 : memref<262144x128xf32, #tpu.memory_space<hbm>>) target(%dma_start3A_280 : memref<128x128xf32, #tpu.memory_space<vmem>>) offsets(%dma_start3A_283 : memref<128xi32, #tpu.memory_space<vmem>>) semaphore(%arg7 : memref<!tpu.dma_semaphore, #tpu.memory_space<semaphore_mem>>)
    %dma_wait3A_287 = arith.constant 5 : i32
    %dma_wait3A_288 = arith.constant 1 : i32
    %dma_wait3A_289 = arith.constant 0 : i32
    %dma_wait3A_290 = arith.constant 0 : i32
    %dma_wait3A_291 = tpu.memref_slice %arg6[%dma_wait3A_288, %dma_wait3A_289, %dma_wait3A_290] : memref<2x128x128xf32, #tpu.memory_space<vmem>> -> memref<1x128x128xf32, #tpu.memory_space<vmem>>
    %dma_wait3A_292 = tpu.memref_squeeze %dma_wait3A_291 : memref<1x128x128xf32, #tpu.memory_space<vmem>> -> memref<128x128xf32, #tpu.memory_space<vmem>>
    %dma_wait3A_293 = arith.constant 0 : i32
    %dma_wait3A_294 = tpu.memref_slice %arg5[%dma_wait3A_287, %dma_wait3A_293] : memref<8x128xi32, #tpu.memory_space<vmem>> -> memref<1x128xi32, #tpu.memory_space<vmem>>
    %dma_wait3A_295 = tpu.memref_squeeze %dma_wait3A_294 : memref<1x128xi32, #tpu.memory_space<vmem>> -> memref<128xi32, #tpu.memory_space<vmem>>
    %dma_wait3A_296 = arith.constant 0 : i32
    %dma_wait3A_297 = arith.constant 0 : i32
    %dma_wait3A_298 = tpu.memref_slice %arg2[%dma_wait3A_296, %dma_wait3A_297] : memref<262144x128xf32, #tpu.memory_space<hbm>> -> memref<262144x128xf32, #tpu.memory_space<hbm>>
    tpu.wait_indirect_dma semaphore(%arg8 : memref<!tpu.dma_semaphore, #tpu.memory_space<semaphore_mem>>) src(%dma_wait3A_298 : memref<262144x128xf32, #tpu.memory_space<hbm>>) dst(%dma_wait3A_292 : memref<128x128xf32, #tpu.memory_space<vmem>>)
    %add3A_299 = arith.constant 640 : i32
    %add3A_300 = arith.addi %mul3A_4, %add3A_299 : i32
    %dma_start3A_301 = arith.constant 1 : i32
    %dma_start3A_302 = arith.constant 0 : i32
    %dma_start3A_303 = arith.constant 0 : i32
    %dma_start3A_304 = tpu.memref_slice %arg6[%dma_start3A_301, %dma_start3A_302, %dma_start3A_303] : memref<2x128x128xf32, #tpu.memory_space<vmem>> -> memref<1x128x128xf32, #tpu.memory_space<vmem>>
    %dma_start3A_305 = tpu.memref_squeeze %dma_start3A_304 : memref<1x128x128xf32, #tpu.memory_space<vmem>> -> memref<128x128xf32, #tpu.memory_space<vmem>>
    %dma_start3A_306 = arith.constant 0 : i32
    %dma_start3A_307 = tpu.memref_slice %arg4[%add3A_300, %dma_start3A_306] : memref<32768x128xf32, #tpu.memory_space<hbm>> -> memref<128x128xf32, #tpu.memory_space<hbm>>
    %dma_start3A_308 = arith.constant 0 : i32
    %dma_start3A_309 = tpu.memref_slice %arg4[%add3A_300, %dma_start3A_308] : memref<32768x128xf32, #tpu.memory_space<hbm>> -> memref<128x128xf32, #tpu.memory_space<hbm>>
    %dma_start3A_310 = arith.constant 0 : i32
    %dma_start3A_311 = arith.constant 0 : i32
    %dma_start3A_312 = tpu.memref_slice %arg6[%dma_start3A_301, %dma_start3A_310, %dma_start3A_311] : memref<2x128x128xf32, #tpu.memory_space<vmem>> -> memref<1x128x128xf32, #tpu.memory_space<vmem>>
    %dma_start3A_313 = tpu.memref_squeeze %dma_start3A_312 : memref<1x128x128xf32, #tpu.memory_space<vmem>> -> memref<128x128xf32, #tpu.memory_space<vmem>>
    tpu.enqueue_dma source(%dma_start3A_313 : memref<128x128xf32, #tpu.memory_space<vmem>>) target(%dma_start3A_309 : memref<128x128xf32, #tpu.memory_space<hbm>>) target_semaphore(%arg10 : memref<!tpu.dma_semaphore, #tpu.memory_space<semaphore_mem>>)
    %dma_wait3A_314 = arith.constant 1 : i32
    %dma_wait3A_315 = arith.constant 0 : i32
    %dma_wait3A_316 = arith.constant 0 : i32
    %dma_wait3A_317 = tpu.memref_slice %arg6[%dma_wait3A_314, %dma_wait3A_315, %dma_wait3A_316] : memref<2x128x128xf32, #tpu.memory_space<vmem>> -> memref<1x128x128xf32, #tpu.memory_space<vmem>>
    %dma_wait3A_318 = tpu.memref_squeeze %dma_wait3A_317 : memref<1x128x128xf32, #tpu.memory_space<vmem>> -> memref<128x128xf32, #tpu.memory_space<vmem>>
    %dma_wait3A_319 = arith.constant 0 : i32
    %dma_wait3A_320 = tpu.memref_slice %arg4[%add3A_300, %dma_wait3A_319] : memref<32768x128xf32, #tpu.memory_space<hbm>> -> memref<128x128xf32, #tpu.memory_space<hbm>>
    %dma_wait3A_321 = arith.constant 0 : i32
    %dma_wait3A_322 = tpu.memref_slice %arg4[%add3A_300, %dma_wait3A_321] : memref<32768x128xf32, #tpu.memory_space<hbm>> -> memref<128x128xf32, #tpu.memory_space<hbm>>
    %dma_wait3A_323 = arith.constant 0 : i32
    %dma_wait3A_324 = arith.constant 0 : i32
    %dma_wait3A_325 = tpu.memref_slice %arg6[%dma_wait3A_314, %dma_wait3A_323, %dma_wait3A_324] : memref<2x128x128xf32, #tpu.memory_space<vmem>> -> memref<1x128x128xf32, #tpu.memory_space<vmem>>
    %dma_wait3A_326 = tpu.memref_squeeze %dma_wait3A_325 : memref<1x128x128xf32, #tpu.memory_space<vmem>> -> memref<128x128xf32, #tpu.memory_space<vmem>>
    tpu.wait_dma2 semaphore(%arg10 : memref<!tpu.dma_semaphore, #tpu.memory_space<semaphore_mem>>) src(%dma_wait3A_326 : memref<128x128xf32, #tpu.memory_space<vmem>>) dst(%dma_wait3A_322 : memref<128x128xf32, #tpu.memory_space<hbm>>)
    %dma_start3A_327 = arith.constant 7 : i32
    %dma_start3A_328 = arith.constant 1 : i32
    %dma_start3A_329 = arith.constant 0 : i32
    %dma_start3A_330 = arith.constant 0 : i32
    %dma_start3A_331 = tpu.memref_slice %arg6[%dma_start3A_328, %dma_start3A_329, %dma_start3A_330] : memref<2x128x128xf32, #tpu.memory_space<vmem>> -> memref<1x128x128xf32, #tpu.memory_space<vmem>>
    %dma_start3A_332 = tpu.memref_squeeze %dma_start3A_331 : memref<1x128x128xf32, #tpu.memory_space<vmem>> -> memref<128x128xf32, #tpu.memory_space<vmem>>
    %dma_start3A_333 = arith.constant 0 : i32
    %dma_start3A_334 = tpu.memref_slice %arg5[%dma_start3A_327, %dma_start3A_333] : memref<8x128xi32, #tpu.memory_space<vmem>> -> memref<1x128xi32, #tpu.memory_space<vmem>>
    %dma_start3A_335 = tpu.memref_squeeze %dma_start3A_334 : memref<1x128xi32, #tpu.memory_space<vmem>> -> memref<128xi32, #tpu.memory_space<vmem>>
    %dma_start3A_336 = arith.constant 0 : i32
    %dma_start3A_337 = arith.constant 0 : i32
    %dma_start3A_338 = tpu.memref_slice %arg2[%dma_start3A_336, %dma_start3A_337] : memref<262144x128xf32, #tpu.memory_space<hbm>> -> memref<262144x128xf32, #tpu.memory_space<hbm>>
    tpu.enqueue_indirect_dma source(%dma_start3A_338 : memref<262144x128xf32, #tpu.memory_space<hbm>>) target(%dma_start3A_332 : memref<128x128xf32, #tpu.memory_space<vmem>>) offsets(%dma_start3A_335 : memref<128xi32, #tpu.memory_space<vmem>>) semaphore(%arg8 : memref<!tpu.dma_semaphore, #tpu.memory_space<semaphore_mem>>)
    %dma_wait3A_339 = arith.constant 6 : i32
    %dma_wait3A_340 = arith.constant 0 : i32
    %dma_wait3A_341 = arith.constant 0 : i32
    %dma_wait3A_342 = arith.constant 0 : i32
    %dma_wait3A_343 = tpu.memref_slice %arg6[%dma_wait3A_340, %dma_wait3A_341, %dma_wait3A_342] : memref<2x128x128xf32, #tpu.memory_space<vmem>> -> memref<1x128x128xf32, #tpu.memory_space<vmem>>
    %dma_wait3A_344 = tpu.memref_squeeze %dma_wait3A_343 : memref<1x128x128xf32, #tpu.memory_space<vmem>> -> memref<128x128xf32, #tpu.memory_space<vmem>>
    %dma_wait3A_345 = arith.constant 0 : i32
    %dma_wait3A_346 = tpu.memref_slice %arg5[%dma_wait3A_339, %dma_wait3A_345] : memref<8x128xi32, #tpu.memory_space<vmem>> -> memref<1x128xi32, #tpu.memory_space<vmem>>
    %dma_wait3A_347 = tpu.memref_squeeze %dma_wait3A_346 : memref<1x128xi32, #tpu.memory_space<vmem>> -> memref<128xi32, #tpu.memory_space<vmem>>
    %dma_wait3A_348 = arith.constant 0 : i32
    %dma_wait3A_349 = arith.constant 0 : i32
    %dma_wait3A_350 = tpu.memref_slice %arg2[%dma_wait3A_348, %dma_wait3A_349] : memref<262144x128xf32, #tpu.memory_space<hbm>> -> memref<262144x128xf32, #tpu.memory_space<hbm>>
    tpu.wait_indirect_dma semaphore(%arg7 : memref<!tpu.dma_semaphore, #tpu.memory_space<semaphore_mem>>) src(%dma_wait3A_350 : memref<262144x128xf32, #tpu.memory_space<hbm>>) dst(%dma_wait3A_344 : memref<128x128xf32, #tpu.memory_space<vmem>>)
    %add3A_351 = arith.constant 768 : i32
    %add3A_352 = arith.addi %mul3A_4, %add3A_351 : i32
    %dma_start3A_353 = arith.constant 0 : i32
    %dma_start3A_354 = arith.constant 0 : i32
    %dma_start3A_355 = arith.constant 0 : i32
    %dma_start3A_356 = tpu.memref_slice %arg6[%dma_start3A_353, %dma_start3A_354, %dma_start3A_355] : memref<2x128x128xf32, #tpu.memory_space<vmem>> -> memref<1x128x128xf32, #tpu.memory_space<vmem>>
    %dma_start3A_357 = tpu.memref_squeeze %dma_start3A_356 : memref<1x128x128xf32, #tpu.memory_space<vmem>> -> memref<128x128xf32, #tpu.memory_space<vmem>>
    %dma_start3A_358 = arith.constant 0 : i32
    %dma_start3A_359 = tpu.memref_slice %arg4[%add3A_352, %dma_start3A_358] : memref<32768x128xf32, #tpu.memory_space<hbm>> -> memref<128x128xf32, #tpu.memory_space<hbm>>
    %dma_start3A_360 = arith.constant 0 : i32
    %dma_start3A_361 = tpu.memref_slice %arg4[%add3A_352, %dma_start3A_360] : memref<32768x128xf32, #tpu.memory_space<hbm>> -> memref<128x128xf32, #tpu.memory_space<hbm>>
    %dma_start3A_362 = arith.constant 0 : i32
    %dma_start3A_363 = arith.constant 0 : i32
    %dma_start3A_364 = tpu.memref_slice %arg6[%dma_start3A_353, %dma_start3A_362, %dma_start3A_363] : memref<2x128x128xf32, #tpu.memory_space<vmem>> -> memref<1x128x128xf32, #tpu.memory_space<vmem>>
    %dma_start3A_365 = tpu.memref_squeeze %dma_start3A_364 : memref<1x128x128xf32, #tpu.memory_space<vmem>> -> memref<128x128xf32, #tpu.memory_space<vmem>>
    tpu.enqueue_dma source(%dma_start3A_365 : memref<128x128xf32, #tpu.memory_space<vmem>>) target(%dma_start3A_361 : memref<128x128xf32, #tpu.memory_space<hbm>>) target_semaphore(%arg9 : memref<!tpu.dma_semaphore, #tpu.memory_space<semaphore_mem>>)
    %dma_wait3A_366 = arith.constant 7 : i32
    %dma_wait3A_367 = arith.constant 1 : i32
    %dma_wait3A_368 = arith.constant 0 : i32
    %dma_wait3A_369 = arith.constant 0 : i32
    %dma_wait3A_370 = tpu.memref_slice %arg6[%dma_wait3A_367, %dma_wait3A_368, %dma_wait3A_369] : memref<2x128x128xf32, #tpu.memory_space<vmem>> -> memref<1x128x128xf32, #tpu.memory_space<vmem>>
    %dma_wait3A_371 = tpu.memref_squeeze %dma_wait3A_370 : memref<1x128x128xf32, #tpu.memory_space<vmem>> -> memref<128x128xf32, #tpu.memory_space<vmem>>
    %dma_wait3A_372 = arith.constant 0 : i32
    %dma_wait3A_373 = tpu.memref_slice %arg5[%dma_wait3A_366, %dma_wait3A_372] : memref<8x128xi32, #tpu.memory_space<vmem>> -> memref<1x128xi32, #tpu.memory_space<vmem>>
    %dma_wait3A_374 = tpu.memref_squeeze %dma_wait3A_373 : memref<1x128xi32, #tpu.memory_space<vmem>> -> memref<128xi32, #tpu.memory_space<vmem>>
    %dma_wait3A_375 = arith.constant 0 : i32
    %dma_wait3A_376 = arith.constant 0 : i32
    %dma_wait3A_377 = tpu.memref_slice %arg2[%dma_wait3A_375, %dma_wait3A_376] : memref<262144x128xf32, #tpu.memory_space<hbm>> -> memref<262144x128xf32, #tpu.memory_space<hbm>>
    tpu.wait_indirect_dma semaphore(%arg8 : memref<!tpu.dma_semaphore, #tpu.memory_space<semaphore_mem>>) src(%dma_wait3A_377 : memref<262144x128xf32, #tpu.memory_space<hbm>>) dst(%dma_wait3A_371 : memref<128x128xf32, #tpu.memory_space<vmem>>)
    %add3A_378 = arith.constant 896 : i32
    %add3A_379 = arith.addi %mul3A_4, %add3A_378 : i32
    %run_scoped3A = arith.constant 1 : i32
    "tpu.region"() ({
      %run_scoped3A_393 = tpu.sem_alloc : memref<!tpu.dma_semaphore, #tpu.memory_space<semaphore_mem>>
      %dma_start3A_394 = arith.constant 0 : i32
      %dma_start3A_395 = arith.constant 0 : i32
      %dma_start3A_396 = tpu.memref_slice %arg6[%run_scoped3A, %dma_start3A_394, %dma_start3A_395] : memref<2x128x128xf32, #tpu.memory_space<vmem>> -> memref<1x128x128xf32, #tpu.memory_space<vmem>>
      %dma_start3A_397 = tpu.memref_squeeze %dma_start3A_396 : memref<1x128x128xf32, #tpu.memory_space<vmem>> -> memref<128x128xf32, #tpu.memory_space<vmem>>
      %dma_start3A_398 = arith.constant 0 : i32
      %dma_start3A_399 = tpu.memref_slice %arg4[%add3A_379, %dma_start3A_398] : memref<32768x128xf32, #tpu.memory_space<hbm>> -> memref<128x128xf32, #tpu.memory_space<hbm>>
      %dma_start3A_400 = arith.constant 0 : i32
      %dma_start3A_401 = tpu.memref_slice %arg4[%add3A_379, %dma_start3A_400] : memref<32768x128xf32, #tpu.memory_space<hbm>> -> memref<128x128xf32, #tpu.memory_space<hbm>>
      %dma_start3A_402 = arith.constant 0 : i32
      %dma_start3A_403 = arith.constant 0 : i32
      %dma_start3A_404 = tpu.memref_slice %arg6[%run_scoped3A, %dma_start3A_402, %dma_start3A_403] : memref<2x128x128xf32, #tpu.memory_space<vmem>> -> memref<1x128x128xf32, #tpu.memory_space<vmem>>
      %dma_start3A_405 = tpu.memref_squeeze %dma_start3A_404 : memref<1x128x128xf32, #tpu.memory_space<vmem>> -> memref<128x128xf32, #tpu.memory_space<vmem>>
      tpu.enqueue_dma source(%dma_start3A_405 : memref<128x128xf32, #tpu.memory_space<vmem>>) target(%dma_start3A_401 : memref<128x128xf32, #tpu.memory_space<hbm>>) target_semaphore(%run_scoped3A_393 : memref<!tpu.dma_semaphore, #tpu.memory_space<semaphore_mem>>)
      %dma_wait3A_406 = arith.constant 0 : i32
      %dma_wait3A_407 = arith.constant 0 : i32
      %dma_wait3A_408 = tpu.memref_slice %arg6[%run_scoped3A, %dma_wait3A_406, %dma_wait3A_407] : memref<2x128x128xf32, #tpu.memory_space<vmem>> -> memref<1x128x128xf32, #tpu.memory_space<vmem>>
      %dma_wait3A_409 = tpu.memref_squeeze %dma_wait3A_408 : memref<1x128x128xf32, #tpu.memory_space<vmem>> -> memref<128x128xf32, #tpu.memory_space<vmem>>
      %dma_wait3A_410 = arith.constant 0 : i32
      %dma_wait3A_411 = tpu.memref_slice %arg4[%add3A_379, %dma_wait3A_410] : memref<32768x128xf32, #tpu.memory_space<hbm>> -> memref<128x128xf32, #tpu.memory_space<hbm>>
      %dma_wait3A_412 = arith.constant 0 : i32
      %dma_wait3A_413 = tpu.memref_slice %arg4[%add3A_379, %dma_wait3A_412] : memref<32768x128xf32, #tpu.memory_space<hbm>> -> memref<128x128xf32, #tpu.memory_space<hbm>>
      %dma_wait3A_414 = arith.constant 0 : i32
      %dma_wait3A_415 = arith.constant 0 : i32
      %dma_wait3A_416 = tpu.memref_slice %arg6[%run_scoped3A, %dma_wait3A_414, %dma_wait3A_415] : memref<2x128x128xf32, #tpu.memory_space<vmem>> -> memref<1x128x128xf32, #tpu.memory_space<vmem>>
      %dma_wait3A_417 = tpu.memref_squeeze %dma_wait3A_416 : memref<1x128x128xf32, #tpu.memory_space<vmem>> -> memref<128x128xf32, #tpu.memory_space<vmem>>
      tpu.wait_dma2 semaphore(%run_scoped3A_393 : memref<!tpu.dma_semaphore, #tpu.memory_space<semaphore_mem>>) src(%dma_wait3A_417 : memref<128x128xf32, #tpu.memory_space<vmem>>) dst(%dma_wait3A_413 : memref<128x128xf32, #tpu.memory_space<hbm>>)
      tpu.yield
    }) : () -> ()
    %dma_wait3A_380 = arith.constant 0 : i32
    %dma_wait3A_381 = arith.constant 0 : i32
    %dma_wait3A_382 = arith.constant 0 : i32
    %dma_wait3A_383 = tpu.memref_slice %arg6[%dma_wait3A_380, %dma_wait3A_381, %dma_wait3A_382] : memref<2x128x128xf32, #tpu.memory_space<vmem>> -> memref<1x128x128xf32, #tpu.memory_space<vmem>>
    %dma_wait3A_384 = tpu.memref_squeeze %dma_wait3A_383 : memref<1x128x128xf32, #tpu.memory_space<vmem>> -> memref<128x128xf32, #tpu.memory_space<vmem>>
    %dma_wait3A_385 = arith.constant 0 : i32
    %dma_wait3A_386 = tpu.memref_slice %arg4[%add3A_352, %dma_wait3A_385] : memref<32768x128xf32, #tpu.memory_space<hbm>> -> memref<128x128xf32, #tpu.memory_space<hbm>>
    %dma_wait3A_387 = arith.constant 0 : i32
    %dma_wait3A_388 = tpu.memref_slice %arg4[%add3A_352, %dma_wait3A_387] : memref<32768x128xf32, #tpu.memory_space<hbm>> -> memref<128x128xf32, #tpu.memory_space<hbm>>
    %dma_wait3A_389 = arith.constant 0 : i32
    %dma_wait3A_390 = arith.constant 0 : i32
    %dma_wait3A_391 = tpu.memref_slice %arg6[%dma_wait3A_380, %dma_wait3A_389, %dma_wait3A_390] : memref<2x128x128xf32, #tpu.memory_space<vmem>> -> memref<1x128x128xf32, #tpu.memory_space<vmem>>
    %dma_wait3A_392 = tpu.memref_squeeze %dma_wait3A_391 : memref<1x128x128xf32, #tpu.memory_space<vmem>> -> memref<128x128xf32, #tpu.memory_space<vmem>>
    tpu.wait_dma2 semaphore(%arg9 : memref<!tpu.dma_semaphore, #tpu.memory_space<semaphore_mem>>) src(%dma_wait3A_392 : memref<128x128xf32, #tpu.memory_space<vmem>>) dst(%dma_wait3A_388 : memref<128x128xf32, #tpu.memory_space<hbm>>)
    return
  }
}

module attributes {stable_mosaic.version = 14 : i64} {
  func.func @_loss_body(%arg0: i32, %arg1: memref<1x8xf32, #tpu.memory_space<smem>>, %arg2: memref<2x32x32x1024xf32, #tpu.memory_space<vmem>>, %arg3: memref<2x32x32x128xf32, #tpu.memory_space<vmem>>, %arg4: memref<2x1x128xf32, #tpu.memory_space<vmem>>, %arg5: memref<2x8x128xi32, #tpu.memory_space<vmem>>) attributes {dimension_semantics = [#tpu.dimension_semantics<parallel>], iteration_bounds = array<i64: 16>, scalar_prefetch = 0 : i64, scratch_operands = 0 : i64, tpu.core_type = #tpu.core_type<tc>, window_params = [{transform_indices = @transform_0, window_bounds = array<i64: 1, 8>}, {transform_indices = @transform_1, window_bounds = array<i64: 2, 32, 32, 1024>}, {transform_indices = @transform_2, window_bounds = array<i64: 2, 32, 32, 128>}, {transform_indices = @transform_3, window_bounds = array<i64: 2, 1, 128>}, {transform_indices = @transform_4, window_bounds = array<i64: 2, 8, 128>}]} {
    %get3A = arith.constant 0 : index
    %get3A_0 = arith.constant 0 : index
    %get3A_1 = arith.constant 0 : index
    %get3A_2 = arith.constant 0 : index
    %get3A_3 = vector.load %arg3[%get3A, %get3A_0, %get3A_1, %get3A_2] : memref<2x32x32x128xf32, #tpu.memory_space<vmem>>, vector<1x32x32x128xf32>
    %get3A_4 = vector.shape_cast %get3A_3 : vector<1x32x32x128xf32> to vector<32x32x128xf32>
    %get3A_5 = arith.constant 0 : index
    %get3A_6 = arith.constant 0 : index
    %get3A_7 = arith.constant 0 : index
    %get3A_8 = arith.constant 0 : index
    %get3A_9 = vector.load %arg2[%get3A_5, %get3A_6, %get3A_7, %get3A_8] : memref<2x32x32x1024xf32, #tpu.memory_space<vmem>>, vector<1x32x32x128xf32>
    %get3A_10 = vector.shape_cast %get3A_9 : vector<1x32x32x128xf32> to vector<32x32x128xf32>
    %sub3A = arith.subf %get3A_10, %get3A_4 : vector<32x32x128xf32>
    %mul3A = arith.mulf %sub3A, %sub3A : vector<32x32x128xf32>
    %reduce_sum3A = vector.shape_cast %mul3A : vector<32x32x128xf32> to vector<1x32x32x128xf32>
    %reduce_sum3A_11 = arith.constant dense<0.000000e+00> : vector<1xf32>
    %reduce_sum3A_12 = vector.multi_reduction <add>, %reduce_sum3A, %reduce_sum3A_11 [1, 2, 3] : vector<1x32x32x128xf32> to vector<1xf32>
    %reduce_sum3A_13 = vector.shape_cast %reduce_sum3A_12 : vector<1xf32> to vector<1x1x1x1xf32>
    %reduce_sum3A_14 = vector.extract %reduce_sum3A_13[0, 0, 0, 0] : f32 from vector<1x1x1x1xf32>
    %mul3A_15 = arith.constant 7.62939453E-6 : f32
    %mul3A_16 = arith.mulf %reduce_sum3A_14, %mul3A_15 : f32
    %add3A = arith.constant 0.0029296875 : f32
    %add3A_17 = arith.addf %mul3A_16, %add3A : f32
    %get3A_18 = arith.constant 0 : index
    %get3A_19 = arith.constant 0 : index
    %get3A_20 = memref.load %arg1[%get3A_18, %get3A_19] : memref<1x8xf32, #tpu.memory_space<smem>>
    %mul3A_21 = arith.mulf %add3A_17, %get3A_20 : f32
    %lt3A = arith.constant 0x7F800000 : f32
    %lt3A_22 = arith.cmpf olt, %mul3A_21, %lt3A : f32
    %jit3A = arith.constant 0x7F800000 : f32
    %select_n3A = arith.select %lt3A_22, %mul3A_21, %jit3A : f32
    %jit3A_23 = arith.constant 0.000000e+00 : f32
    %select_n3A_24 = arith.select %lt3A_22, %add3A_17, %jit3A_23 : f32
    %jit3A_25 = arith.constant 0 : i32
    %jit3A_26 = arith.constant 0 : i32
    %select_n3A_27 = arith.select %lt3A_22, %jit3A_25, %jit3A_26 : i32
    %get3A_28 = arith.constant 0 : index
    %get3A_29 = arith.constant 0 : index
    %get3A_30 = arith.constant 0 : index
    %get3A_31 = arith.constant 128 : index
    %get3A_32 = vector.load %arg2[%get3A_28, %get3A_29, %get3A_30, %get3A_31] : memref<2x32x32x1024xf32, #tpu.memory_space<vmem>>, vector<1x32x32x128xf32>
    %get3A_33 = vector.shape_cast %get3A_32 : vector<1x32x32x128xf32> to vector<32x32x128xf32>
    %sub3A_34 = arith.subf %get3A_33, %get3A_4 : vector<32x32x128xf32>
    %mul3A_35 = arith.mulf %sub3A_34, %sub3A_34 : vector<32x32x128xf32>
    %reduce_sum3A_36 = vector.shape_cast %mul3A_35 : vector<32x32x128xf32> to vector<1x32x32x128xf32>
    %reduce_sum3A_37 = arith.constant dense<0.000000e+00> : vector<1xf32>
    %reduce_sum3A_38 = vector.multi_reduction <add>, %reduce_sum3A_36, %reduce_sum3A_37 [1, 2, 3] : vector<1x32x32x128xf32> to vector<1xf32>
    %reduce_sum3A_39 = vector.shape_cast %reduce_sum3A_38 : vector<1xf32> to vector<1x1x1x1xf32>
    %reduce_sum3A_40 = vector.extract %reduce_sum3A_39[0, 0, 0, 0] : f32 from vector<1x1x1x1xf32>
    %mul3A_41 = arith.constant 7.62939453E-6 : f32
    %mul3A_42 = arith.mulf %reduce_sum3A_40, %mul3A_41 : f32
    %add3A_43 = arith.constant 0.0029296875 : f32
    %add3A_44 = arith.addf %mul3A_42, %add3A_43 : f32
    %get3A_45 = arith.constant 0 : index
    %get3A_46 = arith.constant 1 : index
    %get3A_47 = memref.load %arg1[%get3A_45, %get3A_46] : memref<1x8xf32, #tpu.memory_space<smem>>
    %mul3A_48 = arith.mulf %add3A_44, %get3A_47 : f32
    %lt3A_49 = arith.cmpf olt, %mul3A_48, %select_n3A : f32
    %select_n3A_50 = arith.select %lt3A_49, %mul3A_48, %select_n3A : f32
    %select_n3A_51 = arith.select %lt3A_49, %add3A_44, %select_n3A_24 : f32
    %jit3A_52 = arith.constant 1 : i32
    %select_n3A_53 = arith.select %lt3A_49, %jit3A_52, %select_n3A_27 : i32
    %get3A_54 = arith.constant 0 : index
    %get3A_55 = arith.constant 0 : index
    %get3A_56 = arith.constant 0 : index
    %get3A_57 = arith.constant 256 : index
    %get3A_58 = vector.load %arg2[%get3A_54, %get3A_55, %get3A_56, %get3A_57] : memref<2x32x32x1024xf32, #tpu.memory_space<vmem>>, vector<1x32x32x128xf32>
    %get3A_59 = vector.shape_cast %get3A_58 : vector<1x32x32x128xf32> to vector<32x32x128xf32>
    %sub3A_60 = arith.subf %get3A_59, %get3A_4 : vector<32x32x128xf32>
    %mul3A_61 = arith.mulf %sub3A_60, %sub3A_60 : vector<32x32x128xf32>
    %reduce_sum3A_62 = vector.shape_cast %mul3A_61 : vector<32x32x128xf32> to vector<1x32x32x128xf32>
    %reduce_sum3A_63 = arith.constant dense<0.000000e+00> : vector<1xf32>
    %reduce_sum3A_64 = vector.multi_reduction <add>, %reduce_sum3A_62, %reduce_sum3A_63 [1, 2, 3] : vector<1x32x32x128xf32> to vector<1xf32>
    %reduce_sum3A_65 = vector.shape_cast %reduce_sum3A_64 : vector<1xf32> to vector<1x1x1x1xf32>
    %reduce_sum3A_66 = vector.extract %reduce_sum3A_65[0, 0, 0, 0] : f32 from vector<1x1x1x1xf32>
    %mul3A_67 = arith.constant 7.62939453E-6 : f32
    %mul3A_68 = arith.mulf %reduce_sum3A_66, %mul3A_67 : f32
    %add3A_69 = arith.constant 0.0029296875 : f32
    %add3A_70 = arith.addf %mul3A_68, %add3A_69 : f32
    %get3A_71 = arith.constant 0 : index
    %get3A_72 = arith.constant 2 : index
    %get3A_73 = memref.load %arg1[%get3A_71, %get3A_72] : memref<1x8xf32, #tpu.memory_space<smem>>
    %mul3A_74 = arith.mulf %add3A_70, %get3A_73 : f32
    %lt3A_75 = arith.cmpf olt, %mul3A_74, %select_n3A_50 : f32
    %select_n3A_76 = arith.select %lt3A_75, %mul3A_74, %select_n3A_50 : f32
    %select_n3A_77 = arith.select %lt3A_75, %add3A_70, %select_n3A_51 : f32
    %jit3A_78 = arith.constant 2 : i32
    %select_n3A_79 = arith.select %lt3A_75, %jit3A_78, %select_n3A_53 : i32
    %get3A_80 = arith.constant 0 : index
    %get3A_81 = arith.constant 0 : index
    %get3A_82 = arith.constant 0 : index
    %get3A_83 = arith.constant 384 : index
    %get3A_84 = vector.load %arg2[%get3A_80, %get3A_81, %get3A_82, %get3A_83] : memref<2x32x32x1024xf32, #tpu.memory_space<vmem>>, vector<1x32x32x128xf32>
    %get3A_85 = vector.shape_cast %get3A_84 : vector<1x32x32x128xf32> to vector<32x32x128xf32>
    %sub3A_86 = arith.subf %get3A_85, %get3A_4 : vector<32x32x128xf32>
    %mul3A_87 = arith.mulf %sub3A_86, %sub3A_86 : vector<32x32x128xf32>
    %reduce_sum3A_88 = vector.shape_cast %mul3A_87 : vector<32x32x128xf32> to vector<1x32x32x128xf32>
    %reduce_sum3A_89 = arith.constant dense<0.000000e+00> : vector<1xf32>
    %reduce_sum3A_90 = vector.multi_reduction <add>, %reduce_sum3A_88, %reduce_sum3A_89 [1, 2, 3] : vector<1x32x32x128xf32> to vector<1xf32>
    %reduce_sum3A_91 = vector.shape_cast %reduce_sum3A_90 : vector<1xf32> to vector<1x1x1x1xf32>
    %reduce_sum3A_92 = vector.extract %reduce_sum3A_91[0, 0, 0, 0] : f32 from vector<1x1x1x1xf32>
    %mul3A_93 = arith.constant 7.62939453E-6 : f32
    %mul3A_94 = arith.mulf %reduce_sum3A_92, %mul3A_93 : f32
    %add3A_95 = arith.constant 0.0029296875 : f32
    %add3A_96 = arith.addf %mul3A_94, %add3A_95 : f32
    %get3A_97 = arith.constant 0 : index
    %get3A_98 = arith.constant 3 : index
    %get3A_99 = memref.load %arg1[%get3A_97, %get3A_98] : memref<1x8xf32, #tpu.memory_space<smem>>
    %mul3A_100 = arith.mulf %add3A_96, %get3A_99 : f32
    %lt3A_101 = arith.cmpf olt, %mul3A_100, %select_n3A_76 : f32
    %select_n3A_102 = arith.select %lt3A_101, %mul3A_100, %select_n3A_76 : f32
    %select_n3A_103 = arith.select %lt3A_101, %add3A_96, %select_n3A_77 : f32
    %jit3A_104 = arith.constant 3 : i32
    %select_n3A_105 = arith.select %lt3A_101, %jit3A_104, %select_n3A_79 : i32
    %get3A_106 = arith.constant 0 : index
    %get3A_107 = arith.constant 0 : index
    %get3A_108 = arith.constant 0 : index
    %get3A_109 = arith.constant 512 : index
    %get3A_110 = vector.load %arg2[%get3A_106, %get3A_107, %get3A_108, %get3A_109] : memref<2x32x32x1024xf32, #tpu.memory_space<vmem>>, vector<1x32x32x128xf32>
    %get3A_111 = vector.shape_cast %get3A_110 : vector<1x32x32x128xf32> to vector<32x32x128xf32>
    %sub3A_112 = arith.subf %get3A_111, %get3A_4 : vector<32x32x128xf32>
    %mul3A_113 = arith.mulf %sub3A_112, %sub3A_112 : vector<32x32x128xf32>
    %reduce_sum3A_114 = vector.shape_cast %mul3A_113 : vector<32x32x128xf32> to vector<1x32x32x128xf32>
    %reduce_sum3A_115 = arith.constant dense<0.000000e+00> : vector<1xf32>
    %reduce_sum3A_116 = vector.multi_reduction <add>, %reduce_sum3A_114, %reduce_sum3A_115 [1, 2, 3] : vector<1x32x32x128xf32> to vector<1xf32>
    %reduce_sum3A_117 = vector.shape_cast %reduce_sum3A_116 : vector<1xf32> to vector<1x1x1x1xf32>
    %reduce_sum3A_118 = vector.extract %reduce_sum3A_117[0, 0, 0, 0] : f32 from vector<1x1x1x1xf32>
    %mul3A_119 = arith.constant 7.62939453E-6 : f32
    %mul3A_120 = arith.mulf %reduce_sum3A_118, %mul3A_119 : f32
    %add3A_121 = arith.constant 0.0029296875 : f32
    %add3A_122 = arith.addf %mul3A_120, %add3A_121 : f32
    %get3A_123 = arith.constant 0 : index
    %get3A_124 = arith.constant 4 : index
    %get3A_125 = memref.load %arg1[%get3A_123, %get3A_124] : memref<1x8xf32, #tpu.memory_space<smem>>
    %mul3A_126 = arith.mulf %add3A_122, %get3A_125 : f32
    %lt3A_127 = arith.cmpf olt, %mul3A_126, %select_n3A_102 : f32
    %select_n3A_128 = arith.select %lt3A_127, %mul3A_126, %select_n3A_102 : f32
    %select_n3A_129 = arith.select %lt3A_127, %add3A_122, %select_n3A_103 : f32
    %jit3A_130 = arith.constant 4 : i32
    %select_n3A_131 = arith.select %lt3A_127, %jit3A_130, %select_n3A_105 : i32
    %get3A_132 = arith.constant 0 : index
    %get3A_133 = arith.constant 0 : index
    %get3A_134 = arith.constant 0 : index
    %get3A_135 = arith.constant 640 : index
    %get3A_136 = vector.load %arg2[%get3A_132, %get3A_133, %get3A_134, %get3A_135] : memref<2x32x32x1024xf32, #tpu.memory_space<vmem>>, vector<1x32x32x128xf32>
    %get3A_137 = vector.shape_cast %get3A_136 : vector<1x32x32x128xf32> to vector<32x32x128xf32>
    %sub3A_138 = arith.subf %get3A_137, %get3A_4 : vector<32x32x128xf32>
    %mul3A_139 = arith.mulf %sub3A_138, %sub3A_138 : vector<32x32x128xf32>
    %reduce_sum3A_140 = vector.shape_cast %mul3A_139 : vector<32x32x128xf32> to vector<1x32x32x128xf32>
    %reduce_sum3A_141 = arith.constant dense<0.000000e+00> : vector<1xf32>
    %reduce_sum3A_142 = vector.multi_reduction <add>, %reduce_sum3A_140, %reduce_sum3A_141 [1, 2, 3] : vector<1x32x32x128xf32> to vector<1xf32>
    %reduce_sum3A_143 = vector.shape_cast %reduce_sum3A_142 : vector<1xf32> to vector<1x1x1x1xf32>
    %reduce_sum3A_144 = vector.extract %reduce_sum3A_143[0, 0, 0, 0] : f32 from vector<1x1x1x1xf32>
    %mul3A_145 = arith.constant 7.62939453E-6 : f32
    %mul3A_146 = arith.mulf %reduce_sum3A_144, %mul3A_145 : f32
    %add3A_147 = arith.constant 0.0029296875 : f32
    %add3A_148 = arith.addf %mul3A_146, %add3A_147 : f32
    %get3A_149 = arith.constant 0 : index
    %get3A_150 = arith.constant 5 : index
    %get3A_151 = memref.load %arg1[%get3A_149, %get3A_150] : memref<1x8xf32, #tpu.memory_space<smem>>
    %mul3A_152 = arith.mulf %add3A_148, %get3A_151 : f32
    %lt3A_153 = arith.cmpf olt, %mul3A_152, %select_n3A_128 : f32
    %select_n3A_154 = arith.select %lt3A_153, %mul3A_152, %select_n3A_128 : f32
    %select_n3A_155 = arith.select %lt3A_153, %add3A_148, %select_n3A_129 : f32
    %jit3A_156 = arith.constant 5 : i32
    %select_n3A_157 = arith.select %lt3A_153, %jit3A_156, %select_n3A_131 : i32
    %get3A_158 = arith.constant 0 : index
    %get3A_159 = arith.constant 0 : index
    %get3A_160 = arith.constant 0 : index
    %get3A_161 = arith.constant 768 : index
    %get3A_162 = vector.load %arg2[%get3A_158, %get3A_159, %get3A_160, %get3A_161] : memref<2x32x32x1024xf32, #tpu.memory_space<vmem>>, vector<1x32x32x128xf32>
    %get3A_163 = vector.shape_cast %get3A_162 : vector<1x32x32x128xf32> to vector<32x32x128xf32>
    %sub3A_164 = arith.subf %get3A_163, %get3A_4 : vector<32x32x128xf32>
    %mul3A_165 = arith.mulf %sub3A_164, %sub3A_164 : vector<32x32x128xf32>
    %reduce_sum3A_166 = vector.shape_cast %mul3A_165 : vector<32x32x128xf32> to vector<1x32x32x128xf32>
    %reduce_sum3A_167 = arith.constant dense<0.000000e+00> : vector<1xf32>
    %reduce_sum3A_168 = vector.multi_reduction <add>, %reduce_sum3A_166, %reduce_sum3A_167 [1, 2, 3] : vector<1x32x32x128xf32> to vector<1xf32>
    %reduce_sum3A_169 = vector.shape_cast %reduce_sum3A_168 : vector<1xf32> to vector<1x1x1x1xf32>
    %reduce_sum3A_170 = vector.extract %reduce_sum3A_169[0, 0, 0, 0] : f32 from vector<1x1x1x1xf32>
    %mul3A_171 = arith.constant 7.62939453E-6 : f32
    %mul3A_172 = arith.mulf %reduce_sum3A_170, %mul3A_171 : f32
    %add3A_173 = arith.constant 0.0029296875 : f32
    %add3A_174 = arith.addf %mul3A_172, %add3A_173 : f32
    %get3A_175 = arith.constant 0 : index
    %get3A_176 = arith.constant 6 : index
    %get3A_177 = memref.load %arg1[%get3A_175, %get3A_176] : memref<1x8xf32, #tpu.memory_space<smem>>
    %mul3A_178 = arith.mulf %add3A_174, %get3A_177 : f32
    %lt3A_179 = arith.cmpf olt, %mul3A_178, %select_n3A_154 : f32
    %select_n3A_180 = arith.select %lt3A_179, %mul3A_178, %select_n3A_154 : f32
    %select_n3A_181 = arith.select %lt3A_179, %add3A_174, %select_n3A_155 : f32
    %jit3A_182 = arith.constant 6 : i32
    %select_n3A_183 = arith.select %lt3A_179, %jit3A_182, %select_n3A_157 : i32
    %get3A_184 = arith.constant 0 : index
    %get3A_185 = arith.constant 0 : index
    %get3A_186 = arith.constant 0 : index
    %get3A_187 = arith.constant 896 : index
    %get3A_188 = vector.load %arg2[%get3A_184, %get3A_185, %get3A_186, %get3A_187] : memref<2x32x32x1024xf32, #tpu.memory_space<vmem>>, vector<1x32x32x128xf32>
    %get3A_189 = vector.shape_cast %get3A_188 : vector<1x32x32x128xf32> to vector<32x32x128xf32>
    %sub3A_190 = arith.subf %get3A_189, %get3A_4 : vector<32x32x128xf32>
    %mul3A_191 = arith.mulf %sub3A_190, %sub3A_190 : vector<32x32x128xf32>
    %reduce_sum3A_192 = vector.shape_cast %mul3A_191 : vector<32x32x128xf32> to vector<1x32x32x128xf32>
    %reduce_sum3A_193 = arith.constant dense<0.000000e+00> : vector<1xf32>
    %reduce_sum3A_194 = vector.multi_reduction <add>, %reduce_sum3A_192, %reduce_sum3A_193 [1, 2, 3] : vector<1x32x32x128xf32> to vector<1xf32>
    %reduce_sum3A_195 = vector.shape_cast %reduce_sum3A_194 : vector<1xf32> to vector<1x1x1x1xf32>
    %reduce_sum3A_196 = vector.extract %reduce_sum3A_195[0, 0, 0, 0] : f32 from vector<1x1x1x1xf32>
    %mul3A_197 = arith.constant 7.62939453E-6 : f32
    %mul3A_198 = arith.mulf %reduce_sum3A_196, %mul3A_197 : f32
    %add3A_199 = arith.constant 0.0029296875 : f32
    %add3A_200 = arith.addf %mul3A_198, %add3A_199 : f32
    %get3A_201 = arith.constant 0 : index
    %get3A_202 = arith.constant 7 : index
    %get3A_203 = memref.load %arg1[%get3A_201, %get3A_202] : memref<1x8xf32, #tpu.memory_space<smem>>
    %mul3A_204 = arith.mulf %add3A_200, %get3A_203 : f32
    %lt3A_205 = arith.cmpf olt, %mul3A_204, %select_n3A_180 : f32
    %select_n3A_206 = arith.select %lt3A_205, %add3A_200, %select_n3A_181 : f32
    %jit3A_207 = arith.constant 7 : i32
    %select_n3A_208 = arith.select %lt3A_205, %jit3A_207, %select_n3A_183 : i32
    %broadcast_in_dim3A = vector.broadcast %select_n3A_206 : f32 to vector<1x128xf32>
    %swap3A = arith.constant 0 : index
    %swap3A_209 = arith.constant 0 : index
    %swap3A_210 = arith.constant 0 : index
    %swap3A_211 = vector.load %arg4[%swap3A, %swap3A_209, %swap3A_210] : memref<2x1x128xf32, #tpu.memory_space<vmem>>, vector<1x1x128xf32>
    %swap3A_212 = vector.shape_cast %swap3A_211 : vector<1x1x128xf32> to vector<1x128xf32>
    %swap3A_213 = vector.shape_cast %broadcast_in_dim3A : vector<1x128xf32> to vector<1x1x128xf32>
    tpu.vector_store %arg4[%swap3A, %swap3A_209, %swap3A_210], %swap3A_213 {strides = array<i32>} : memref<2x1x128xf32, #tpu.memory_space<vmem>>, vector<1x1x128xf32>,
    %mul3A_214 = arith.constant 2 : i32
    %mul3A_215 = arith.muli %arg0, %mul3A_214 : i32
    %add3A_216 = arith.constant 0 : i32
    %add3A_217 = arith.addi %mul3A_215, %add3A_216 : i32
    %iota3A = tpu.iota {dimensions = array<i32: 0>} : vector<8x128xi32>
    %mul3A_218 = arith.constant 128 : i32
    %mul3A_219 = vector.broadcast %mul3A_218 : i32 to vector<8x128xi32>
    %mul3A_220 = arith.muli %iota3A, %mul3A_219 : vector<8x128xi32>
    %iota3A_221 = tpu.iota {dimensions = array<i32: 1>} : vector<8x128xi32>
    %add3A_222 = arith.addi %mul3A_220, %iota3A_221 : vector<8x128xi32>
    %mul3A_223 = arith.constant 8192 : i32
    %mul3A_224 = arith.muli %add3A_217, %mul3A_223 : i32
    %shift_right_arithmetic3A = arith.constant 3 : i32
    %shift_right_arithmetic3A_225 = vector.broadcast %shift_right_arithmetic3A : i32 to vector<8x128xi32>
    %shift_right_arithmetic3A_226 = arith.shrsi %add3A_222, %shift_right_arithmetic3A_225 : vector<8x128xi32>
    %mul3A_227 = arith.constant 64 : i32
    %mul3A_228 = vector.broadcast %mul3A_227 : i32 to vector<8x128xi32>
    %mul3A_229 = arith.muli %shift_right_arithmetic3A_226, %mul3A_228 : vector<8x128xi32>
    %add3A_230 = vector.broadcast %mul3A_224 : i32 to vector<8x128xi32>
    %add3A_231 = arith.addi %add3A_230, %mul3A_229 : vector<8x128xi32>
    %mul3A_232 = arith.constant 8 : i32
    %mul3A_233 = arith.muli %select_n3A_208, %mul3A_232 : i32
    %add3A_234 = vector.broadcast %mul3A_233 : i32 to vector<8x128xi32>
    %add3A_235 = arith.addi %add3A_231, %add3A_234 : vector<8x128xi32>
    %and3A = arith.constant 7 : i32
    %and3A_236 = vector.broadcast %and3A : i32 to vector<8x128xi32>
    %and3A_237 = arith.andi %add3A_222, %and3A_236 : vector<8x128xi32>
    %add3A_238 = arith.addi %add3A_235, %and3A_237 : vector<8x128xi32>
    %swap3A_239 = arith.constant 0 : index
    %swap3A_240 = arith.constant 0 : index
    %swap3A_241 = arith.constant 0 : index
    %swap3A_242 = vector.load %arg5[%swap3A_239, %swap3A_240, %swap3A_241] : memref<2x8x128xi32, #tpu.memory_space<vmem>>, vector<1x8x128xi32>
    %swap3A_243 = vector.shape_cast %swap3A_242 : vector<1x8x128xi32> to vector<8x128xi32>
    %swap3A_244 = vector.shape_cast %add3A_238 : vector<8x128xi32> to vector<1x8x128xi32>
    tpu.vector_store %arg5[%swap3A_239, %swap3A_240, %swap3A_241], %swap3A_244 {strides = array<i32>} : memref<2x8x128xi32, #tpu.memory_space<vmem>>, vector<1x8x128xi32>,
    %get3A_245 = arith.constant 1 : index
    %get3A_246 = arith.constant 0 : index
    %get3A_247 = arith.constant 0 : index
    %get3A_248 = arith.constant 0 : index
    %get3A_249 = vector.load %arg3[%get3A_245, %get3A_246, %get3A_247, %get3A_248] : memref<2x32x32x128xf32, #tpu.memory_space<vmem>>, vector<1x32x32x128xf32>
    %get3A_250 = vector.shape_cast %get3A_249 : vector<1x32x32x128xf32> to vector<32x32x128xf32>
    %get3A_251 = arith.constant 1 : index
    %get3A_252 = arith.constant 0 : index
    %get3A_253 = arith.constant 0 : index
    %get3A_254 = arith.constant 0 : index
    %get3A_255 = vector.load %arg2[%get3A_251, %get3A_252, %get3A_253, %get3A_254] : memref<2x32x32x1024xf32, #tpu.memory_space<vmem>>, vector<1x32x32x128xf32>
    %get3A_256 = vector.shape_cast %get3A_255 : vector<1x32x32x128xf32> to vector<32x32x128xf32>
    %sub3A_257 = arith.subf %get3A_256, %get3A_250 : vector<32x32x128xf32>
    %mul3A_258 = arith.mulf %sub3A_257, %sub3A_257 : vector<32x32x128xf32>
    %reduce_sum3A_259 = vector.shape_cast %mul3A_258 : vector<32x32x128xf32> to vector<1x32x32x128xf32>
    %reduce_sum3A_260 = arith.constant dense<0.000000e+00> : vector<1xf32>
    %reduce_sum3A_261 = vector.multi_reduction <add>, %reduce_sum3A_259, %reduce_sum3A_260 [1, 2, 3] : vector<1x32x32x128xf32> to vector<1xf32>
    %reduce_sum3A_262 = vector.shape_cast %reduce_sum3A_261 : vector<1xf32> to vector<1x1x1x1xf32>
    %reduce_sum3A_263 = vector.extract %reduce_sum3A_262[0, 0, 0, 0] : f32 from vector<1x1x1x1xf32>
    %mul3A_264 = arith.constant 7.62939453E-6 : f32
    %mul3A_265 = arith.mulf %reduce_sum3A_263, %mul3A_264 : f32
    %add3A_266 = arith.constant 0.0029296875 : f32
    %add3A_267 = arith.addf %mul3A_265, %add3A_266 : f32
    %get3A_268 = arith.constant 0 : index
    %get3A_269 = arith.constant 0 : index
    %get3A_270 = memref.load %arg1[%get3A_268, %get3A_269] : memref<1x8xf32, #tpu.memory_space<smem>>
    %mul3A_271 = arith.mulf %add3A_267, %get3A_270 : f32
    %lt3A_272 = arith.constant 0x7F800000 : f32
    %lt3A_273 = arith.cmpf olt, %mul3A_271, %lt3A_272 : f32
    %jit3A_274 = arith.constant 0x7F800000 : f32
    %select_n3A_275 = arith.select %lt3A_273, %mul3A_271, %jit3A_274 : f32
    %jit3A_276 = arith.constant 0.000000e+00 : f32
    %select_n3A_277 = arith.select %lt3A_273, %add3A_267, %jit3A_276 : f32
    %jit3A_278 = arith.constant 0 : i32
    %jit3A_279 = arith.constant 0 : i32
    %select_n3A_280 = arith.select %lt3A_273, %jit3A_278, %jit3A_279 : i32
    %get3A_281 = arith.constant 1 : index
    %get3A_282 = arith.constant 0 : index
    %get3A_283 = arith.constant 0 : index
    %get3A_284 = arith.constant 128 : index
    %get3A_285 = vector.load %arg2[%get3A_281, %get3A_282, %get3A_283, %get3A_284] : memref<2x32x32x1024xf32, #tpu.memory_space<vmem>>, vector<1x32x32x128xf32>
    %get3A_286 = vector.shape_cast %get3A_285 : vector<1x32x32x128xf32> to vector<32x32x128xf32>
    %sub3A_287 = arith.subf %get3A_286, %get3A_250 : vector<32x32x128xf32>
    %mul3A_288 = arith.mulf %sub3A_287, %sub3A_287 : vector<32x32x128xf32>
    %reduce_sum3A_289 = vector.shape_cast %mul3A_288 : vector<32x32x128xf32> to vector<1x32x32x128xf32>
    %reduce_sum3A_290 = arith.constant dense<0.000000e+00> : vector<1xf32>
    %reduce_sum3A_291 = vector.multi_reduction <add>, %reduce_sum3A_289, %reduce_sum3A_290 [1, 2, 3] : vector<1x32x32x128xf32> to vector<1xf32>
    %reduce_sum3A_292 = vector.shape_cast %reduce_sum3A_291 : vector<1xf32> to vector<1x1x1x1xf32>
    %reduce_sum3A_293 = vector.extract %reduce_sum3A_292[0, 0, 0, 0] : f32 from vector<1x1x1x1xf32>
    %mul3A_294 = arith.constant 7.62939453E-6 : f32
    %mul3A_295 = arith.mulf %reduce_sum3A_293, %mul3A_294 : f32
    %add3A_296 = arith.constant 0.0029296875 : f32
    %add3A_297 = arith.addf %mul3A_295, %add3A_296 : f32
    %get3A_298 = arith.constant 0 : index
    %get3A_299 = arith.constant 1 : index
    %get3A_300 = memref.load %arg1[%get3A_298, %get3A_299] : memref<1x8xf32, #tpu.memory_space<smem>>
    %mul3A_301 = arith.mulf %add3A_297, %get3A_300 : f32
    %lt3A_302 = arith.cmpf olt, %mul3A_301, %select_n3A_275 : f32
    %select_n3A_303 = arith.select %lt3A_302, %mul3A_301, %select_n3A_275 : f32
    %select_n3A_304 = arith.select %lt3A_302, %add3A_297, %select_n3A_277 : f32
    %jit3A_305 = arith.constant 1 : i32
    %select_n3A_306 = arith.select %lt3A_302, %jit3A_305, %select_n3A_280 : i32
    %get3A_307 = arith.constant 1 : index
    %get3A_308 = arith.constant 0 : index
    %get3A_309 = arith.constant 0 : index
    %get3A_310 = arith.constant 256 : index
    %get3A_311 = vector.load %arg2[%get3A_307, %get3A_308, %get3A_309, %get3A_310] : memref<2x32x32x1024xf32, #tpu.memory_space<vmem>>, vector<1x32x32x128xf32>
    %get3A_312 = vector.shape_cast %get3A_311 : vector<1x32x32x128xf32> to vector<32x32x128xf32>
    %sub3A_313 = arith.subf %get3A_312, %get3A_250 : vector<32x32x128xf32>
    %mul3A_314 = arith.mulf %sub3A_313, %sub3A_313 : vector<32x32x128xf32>
    %reduce_sum3A_315 = vector.shape_cast %mul3A_314 : vector<32x32x128xf32> to vector<1x32x32x128xf32>
    %reduce_sum3A_316 = arith.constant dense<0.000000e+00> : vector<1xf32>
    %reduce_sum3A_317 = vector.multi_reduction <add>, %reduce_sum3A_315, %reduce_sum3A_316 [1, 2, 3] : vector<1x32x32x128xf32> to vector<1xf32>
    %reduce_sum3A_318 = vector.shape_cast %reduce_sum3A_317 : vector<1xf32> to vector<1x1x1x1xf32>
    %reduce_sum3A_319 = vector.extract %reduce_sum3A_318[0, 0, 0, 0] : f32 from vector<1x1x1x1xf32>
    %mul3A_320 = arith.constant 7.62939453E-6 : f32
    %mul3A_321 = arith.mulf %reduce_sum3A_319, %mul3A_320 : f32
    %add3A_322 = arith.constant 0.0029296875 : f32
    %add3A_323 = arith.addf %mul3A_321, %add3A_322 : f32
    %get3A_324 = arith.constant 0 : index
    %get3A_325 = arith.constant 2 : index
    %get3A_326 = memref.load %arg1[%get3A_324, %get3A_325] : memref<1x8xf32, #tpu.memory_space<smem>>
    %mul3A_327 = arith.mulf %add3A_323, %get3A_326 : f32
    %lt3A_328 = arith.cmpf olt, %mul3A_327, %select_n3A_303 : f32
    %select_n3A_329 = arith.select %lt3A_328, %mul3A_327, %select_n3A_303 : f32
    %select_n3A_330 = arith.select %lt3A_328, %add3A_323, %select_n3A_304 : f32
    %jit3A_331 = arith.constant 2 : i32
    %select_n3A_332 = arith.select %lt3A_328, %jit3A_331, %select_n3A_306 : i32
    %get3A_333 = arith.constant 1 : index
    %get3A_334 = arith.constant 0 : index
    %get3A_335 = arith.constant 0 : index
    %get3A_336 = arith.constant 384 : index
    %get3A_337 = vector.load %arg2[%get3A_333, %get3A_334, %get3A_335, %get3A_336] : memref<2x32x32x1024xf32, #tpu.memory_space<vmem>>, vector<1x32x32x128xf32>
    %get3A_338 = vector.shape_cast %get3A_337 : vector<1x32x32x128xf32> to vector<32x32x128xf32>
    %sub3A_339 = arith.subf %get3A_338, %get3A_250 : vector<32x32x128xf32>
    %mul3A_340 = arith.mulf %sub3A_339, %sub3A_339 : vector<32x32x128xf32>
    %reduce_sum3A_341 = vector.shape_cast %mul3A_340 : vector<32x32x128xf32> to vector<1x32x32x128xf32>
    %reduce_sum3A_342 = arith.constant dense<0.000000e+00> : vector<1xf32>
    %reduce_sum3A_343 = vector.multi_reduction <add>, %reduce_sum3A_341, %reduce_sum3A_342 [1, 2, 3] : vector<1x32x32x128xf32> to vector<1xf32>
    %reduce_sum3A_344 = vector.shape_cast %reduce_sum3A_343 : vector<1xf32> to vector<1x1x1x1xf32>
    %reduce_sum3A_345 = vector.extract %reduce_sum3A_344[0, 0, 0, 0] : f32 from vector<1x1x1x1xf32>
    %mul3A_346 = arith.constant 7.62939453E-6 : f32
    %mul3A_347 = arith.mulf %reduce_sum3A_345, %mul3A_346 : f32
    %add3A_348 = arith.constant 0.0029296875 : f32
    %add3A_349 = arith.addf %mul3A_347, %add3A_348 : f32
    %get3A_350 = arith.constant 0 : index
    %get3A_351 = arith.constant 3 : index
    %get3A_352 = memref.load %arg1[%get3A_350, %get3A_351] : memref<1x8xf32, #tpu.memory_space<smem>>
    %mul3A_353 = arith.mulf %add3A_349, %get3A_352 : f32
    %lt3A_354 = arith.cmpf olt, %mul3A_353, %select_n3A_329 : f32
    %select_n3A_355 = arith.select %lt3A_354, %mul3A_353, %select_n3A_329 : f32
    %select_n3A_356 = arith.select %lt3A_354, %add3A_349, %select_n3A_330 : f32
    %jit3A_357 = arith.constant 3 : i32
    %select_n3A_358 = arith.select %lt3A_354, %jit3A_357, %select_n3A_332 : i32
    %get3A_359 = arith.constant 1 : index
    %get3A_360 = arith.constant 0 : index
    %get3A_361 = arith.constant 0 : index
    %get3A_362 = arith.constant 512 : index
    %get3A_363 = vector.load %arg2[%get3A_359, %get3A_360, %get3A_361, %get3A_362] : memref<2x32x32x1024xf32, #tpu.memory_space<vmem>>, vector<1x32x32x128xf32>
    %get3A_364 = vector.shape_cast %get3A_363 : vector<1x32x32x128xf32> to vector<32x32x128xf32>
    %sub3A_365 = arith.subf %get3A_364, %get3A_250 : vector<32x32x128xf32>
    %mul3A_366 = arith.mulf %sub3A_365, %sub3A_365 : vector<32x32x128xf32>
    %reduce_sum3A_367 = vector.shape_cast %mul3A_366 : vector<32x32x128xf32> to vector<1x32x32x128xf32>
    %reduce_sum3A_368 = arith.constant dense<0.000000e+00> : vector<1xf32>
    %reduce_sum3A_369 = vector.multi_reduction <add>, %reduce_sum3A_367, %reduce_sum3A_368 [1, 2, 3] : vector<1x32x32x128xf32> to vector<1xf32>
    %reduce_sum3A_370 = vector.shape_cast %reduce_sum3A_369 : vector<1xf32> to vector<1x1x1x1xf32>
    %reduce_sum3A_371 = vector.extract %reduce_sum3A_370[0, 0, 0, 0] : f32 from vector<1x1x1x1xf32>
    %mul3A_372 = arith.constant 7.62939453E-6 : f32
    %mul3A_373 = arith.mulf %reduce_sum3A_371, %mul3A_372 : f32
    %add3A_374 = arith.constant 0.0029296875 : f32
    %add3A_375 = arith.addf %mul3A_373, %add3A_374 : f32
    %get3A_376 = arith.constant 0 : index
    %get3A_377 = arith.constant 4 : index
    %get3A_378 = memref.load %arg1[%get3A_376, %get3A_377] : memref<1x8xf32, #tpu.memory_space<smem>>
    %mul3A_379 = arith.mulf %add3A_375, %get3A_378 : f32
    %lt3A_380 = arith.cmpf olt, %mul3A_379, %select_n3A_355 : f32
    %select_n3A_381 = arith.select %lt3A_380, %mul3A_379, %select_n3A_355 : f32
    %select_n3A_382 = arith.select %lt3A_380, %add3A_375, %select_n3A_356 : f32
    %jit3A_383 = arith.constant 4 : i32
    %select_n3A_384 = arith.select %lt3A_380, %jit3A_383, %select_n3A_358 : i32
    %get3A_385 = arith.constant 1 : index
    %get3A_386 = arith.constant 0 : index
    %get3A_387 = arith.constant 0 : index
    %get3A_388 = arith.constant 640 : index
    %get3A_389 = vector.load %arg2[%get3A_385, %get3A_386, %get3A_387, %get3A_388] : memref<2x32x32x1024xf32, #tpu.memory_space<vmem>>, vector<1x32x32x128xf32>
    %get3A_390 = vector.shape_cast %get3A_389 : vector<1x32x32x128xf32> to vector<32x32x128xf32>
    %sub3A_391 = arith.subf %get3A_390, %get3A_250 : vector<32x32x128xf32>
    %mul3A_392 = arith.mulf %sub3A_391, %sub3A_391 : vector<32x32x128xf32>
    %reduce_sum3A_393 = vector.shape_cast %mul3A_392 : vector<32x32x128xf32> to vector<1x32x32x128xf32>
    %reduce_sum3A_394 = arith.constant dense<0.000000e+00> : vector<1xf32>
    %reduce_sum3A_395 = vector.multi_reduction <add>, %reduce_sum3A_393, %reduce_sum3A_394 [1, 2, 3] : vector<1x32x32x128xf32> to vector<1xf32>
    %reduce_sum3A_396 = vector.shape_cast %reduce_sum3A_395 : vector<1xf32> to vector<1x1x1x1xf32>
    %reduce_sum3A_397 = vector.extract %reduce_sum3A_396[0, 0, 0, 0] : f32 from vector<1x1x1x1xf32>
    %mul3A_398 = arith.constant 7.62939453E-6 : f32
    %mul3A_399 = arith.mulf %reduce_sum3A_397, %mul3A_398 : f32
    %add3A_400 = arith.constant 0.0029296875 : f32
    %add3A_401 = arith.addf %mul3A_399, %add3A_400 : f32
    %get3A_402 = arith.constant 0 : index
    %get3A_403 = arith.constant 5 : index
    %get3A_404 = memref.load %arg1[%get3A_402, %get3A_403] : memref<1x8xf32, #tpu.memory_space<smem>>
    %mul3A_405 = arith.mulf %add3A_401, %get3A_404 : f32
    %lt3A_406 = arith.cmpf olt, %mul3A_405, %select_n3A_381 : f32
    %select_n3A_407 = arith.select %lt3A_406, %mul3A_405, %select_n3A_381 : f32
    %select_n3A_408 = arith.select %lt3A_406, %add3A_401, %select_n3A_382 : f32
    %jit3A_409 = arith.constant 5 : i32
    %select_n3A_410 = arith.select %lt3A_406, %jit3A_409, %select_n3A_384 : i32
    %get3A_411 = arith.constant 1 : index
    %get3A_412 = arith.constant 0 : index
    %get3A_413 = arith.constant 0 : index
    %get3A_414 = arith.constant 768 : index
    %get3A_415 = vector.load %arg2[%get3A_411, %get3A_412, %get3A_413, %get3A_414] : memref<2x32x32x1024xf32, #tpu.memory_space<vmem>>, vector<1x32x32x128xf32>
    %get3A_416 = vector.shape_cast %get3A_415 : vector<1x32x32x128xf32> to vector<32x32x128xf32>
    %sub3A_417 = arith.subf %get3A_416, %get3A_250 : vector<32x32x128xf32>
    %mul3A_418 = arith.mulf %sub3A_417, %sub3A_417 : vector<32x32x128xf32>
    %reduce_sum3A_419 = vector.shape_cast %mul3A_418 : vector<32x32x128xf32> to vector<1x32x32x128xf32>
    %reduce_sum3A_420 = arith.constant dense<0.000000e+00> : vector<1xf32>
    %reduce_sum3A_421 = vector.multi_reduction <add>, %reduce_sum3A_419, %reduce_sum3A_420 [1, 2, 3] : vector<1x32x32x128xf32> to vector<1xf32>
    %reduce_sum3A_422 = vector.shape_cast %reduce_sum3A_421 : vector<1xf32> to vector<1x1x1x1xf32>
    %reduce_sum3A_423 = vector.extract %reduce_sum3A_422[0, 0, 0, 0] : f32 from vector<1x1x1x1xf32>
    %mul3A_424 = arith.constant 7.62939453E-6 : f32
    %mul3A_425 = arith.mulf %reduce_sum3A_423, %mul3A_424 : f32
    %add3A_426 = arith.constant 0.0029296875 : f32
    %add3A_427 = arith.addf %mul3A_425, %add3A_426 : f32
    %get3A_428 = arith.constant 0 : index
    %get3A_429 = arith.constant 6 : index
    %get3A_430 = memref.load %arg1[%get3A_428, %get3A_429] : memref<1x8xf32, #tpu.memory_space<smem>>
    %mul3A_431 = arith.mulf %add3A_427, %get3A_430 : f32
    %lt3A_432 = arith.cmpf olt, %mul3A_431, %select_n3A_407 : f32
    %select_n3A_433 = arith.select %lt3A_432, %mul3A_431, %select_n3A_407 : f32
    %select_n3A_434 = arith.select %lt3A_432, %add3A_427, %select_n3A_408 : f32
    %jit3A_435 = arith.constant 6 : i32
    %select_n3A_436 = arith.select %lt3A_432, %jit3A_435, %select_n3A_410 : i32
    %get3A_437 = arith.constant 1 : index
    %get3A_438 = arith.constant 0 : index
    %get3A_439 = arith.constant 0 : index
    %get3A_440 = arith.constant 896 : index
    %get3A_441 = vector.load %arg2[%get3A_437, %get3A_438, %get3A_439, %get3A_440] : memref<2x32x32x1024xf32, #tpu.memory_space<vmem>>, vector<1x32x32x128xf32>
    %get3A_442 = vector.shape_cast %get3A_441 : vector<1x32x32x128xf32> to vector<32x32x128xf32>
    %sub3A_443 = arith.subf %get3A_442, %get3A_250 : vector<32x32x128xf32>
    %mul3A_444 = arith.mulf %sub3A_443, %sub3A_443 : vector<32x32x128xf32>
    %reduce_sum3A_445 = vector.shape_cast %mul3A_444 : vector<32x32x128xf32> to vector<1x32x32x128xf32>
    %reduce_sum3A_446 = arith.constant dense<0.000000e+00> : vector<1xf32>
    %reduce_sum3A_447 = vector.multi_reduction <add>, %reduce_sum3A_445, %reduce_sum3A_446 [1, 2, 3] : vector<1x32x32x128xf32> to vector<1xf32>
    %reduce_sum3A_448 = vector.shape_cast %reduce_sum3A_447 : vector<1xf32> to vector<1x1x1x1xf32>
    %reduce_sum3A_449 = vector.extract %reduce_sum3A_448[0, 0, 0, 0] : f32 from vector<1x1x1x1xf32>
    %mul3A_450 = arith.constant 7.62939453E-6 : f32
    %mul3A_451 = arith.mulf %reduce_sum3A_449, %mul3A_450 : f32
    %add3A_452 = arith.constant 0.0029296875 : f32
    %add3A_453 = arith.addf %mul3A_451, %add3A_452 : f32
    %get3A_454 = arith.constant 0 : index
    %get3A_455 = arith.constant 7 : index
    %get3A_456 = memref.load %arg1[%get3A_454, %get3A_455] : memref<1x8xf32, #tpu.memory_space<smem>>
    %mul3A_457 = arith.mulf %add3A_453, %get3A_456 : f32
    %lt3A_458 = arith.cmpf olt, %mul3A_457, %select_n3A_433 : f32
    %select_n3A_459 = arith.select %lt3A_458, %add3A_453, %select_n3A_434 : f32
    %jit3A_460 = arith.constant 7 : i32
    %select_n3A_461 = arith.select %lt3A_458, %jit3A_460, %select_n3A_436 : i32
    %broadcast_in_dim3A_462 = vector.broadcast %select_n3A_459 : f32 to vector<1x128xf32>
    %swap3A_463 = arith.constant 1 : index
    %swap3A_464 = arith.constant 0 : index
    %swap3A_465 = arith.constant 0 : index
    %swap3A_466 = vector.load %arg4[%swap3A_463, %swap3A_464, %swap3A_465] : memref<2x1x128xf32, #tpu.memory_space<vmem>>, vector<1x1x128xf32>
    %swap3A_467 = vector.shape_cast %swap3A_466 : vector<1x1x128xf32> to vector<1x128xf32>
    %swap3A_468 = vector.shape_cast %broadcast_in_dim3A_462 : vector<1x128xf32> to vector<1x1x128xf32>
    tpu.vector_store %arg4[%swap3A_463, %swap3A_464, %swap3A_465], %swap3A_468 {strides = array<i32>} : memref<2x1x128xf32, #tpu.memory_space<vmem>>, vector<1x1x128xf32>,
    %mul3A_469 = arith.constant 2 : i32
    %mul3A_470 = arith.muli %arg0, %mul3A_469 : i32
    %add3A_471 = arith.constant 1 : i32
    %add3A_472 = arith.addi %mul3A_470, %add3A_471 : i32
    %iota3A_473 = tpu.iota {dimensions = array<i32: 0>} : vector<8x128xi32>
    %mul3A_474 = arith.constant 128 : i32
    %mul3A_475 = vector.broadcast %mul3A_474 : i32 to vector<8x128xi32>
    %mul3A_476 = arith.muli %iota3A_473, %mul3A_475 : vector<8x128xi32>
    %iota3A_477 = tpu.iota {dimensions = array<i32: 1>} : vector<8x128xi32>
    %add3A_478 = arith.addi %mul3A_476, %iota3A_477 : vector<8x128xi32>
    %mul3A_479 = arith.constant 8192 : i32
    %mul3A_480 = arith.muli %add3A_472, %mul3A_479 : i32
    %shift_right_arithmetic3A_481 = arith.constant 3 : i32
    %shift_right_arithmetic3A_482 = vector.broadcast %shift_right_arithmetic3A_481 : i32 to vector<8x128xi32>
    %shift_right_arithmetic3A_483 = arith.shrsi %add3A_478, %shift_right_arithmetic3A_482 : vector<8x128xi32>
    %mul3A_484 = arith.constant 64 : i32
    %mul3A_485 = vector.broadcast %mul3A_484 : i32 to vector<8x128xi32>
    %mul3A_486 = arith.muli %shift_right_arithmetic3A_483, %mul3A_485 : vector<8x128xi32>
    %add3A_487 = vector.broadcast %mul3A_480 : i32 to vector<8x128xi32>
    %add3A_488 = arith.addi %add3A_487, %mul3A_486 : vector<8x128xi32>
    %mul3A_489 = arith.constant 8 : i32
    %mul3A_490 = arith.muli %select_n3A_461, %mul3A_489 : i32
    %add3A_491 = vector.broadcast %mul3A_490 : i32 to vector<8x128xi32>
    %add3A_492 = arith.addi %add3A_488, %add3A_491 : vector<8x128xi32>
    %and3A_493 = arith.constant 7 : i32
    %and3A_494 = vector.broadcast %and3A_493 : i32 to vector<8x128xi32>
    %and3A_495 = arith.andi %add3A_478, %and3A_494 : vector<8x128xi32>
    %add3A_496 = arith.addi %add3A_492, %and3A_495 : vector<8x128xi32>
    %swap3A_497 = arith.constant 1 : index
    %swap3A_498 = arith.constant 0 : index
    %swap3A_499 = arith.constant 0 : index
    %swap3A_500 = vector.load %arg5[%swap3A_497, %swap3A_498, %swap3A_499] : memref<2x8x128xi32, #tpu.memory_space<vmem>>, vector<1x8x128xi32>
    %swap3A_501 = vector.shape_cast %swap3A_500 : vector<1x8x128xi32> to vector<8x128xi32>
    %swap3A_502 = vector.shape_cast %add3A_496 : vector<8x128xi32> to vector<1x8x128xi32>
    tpu.vector_store %arg5[%swap3A_497, %swap3A_498, %swap3A_499], %swap3A_502 {strides = array<i32>} : memref<2x8x128xi32, #tpu.memory_space<vmem>>, vector<1x8x128xi32>,
    return
  }
  func.func @transform_0(%arg0: i32) -> (i32, i32) {
    %c0_i32 = arith.constant 0 : i32
    %c0_i32_0 = arith.constant 0 : i32
    %c0_i32_1 = arith.constant 0 : i32
    return %c0_i32, %c0_i32_0 : i32, i32
  }
  func.func @transform_1(%arg0: i32) -> (i32, i32, i32, i32) {
    %c0_i32 = arith.constant 0 : i32
    %c0_i32_0 = arith.constant 0 : i32
    %c0_i32_1 = arith.constant 0 : i32
    %c0_i32_2 = arith.constant 0 : i32
    return %arg0, %c0_i32, %c0_i32_0, %c0_i32_1 : i32, i32, i32, i32
  }
  func.func @transform_2(%arg0: i32) -> (i32, i32, i32, i32) {
    %c0_i32 = arith.constant 0 : i32
    %c0_i32_0 = arith.constant 0 : i32
    %c0_i32_1 = arith.constant 0 : i32
    %c0_i32_2 = arith.constant 0 : i32
    return %arg0, %c0_i32, %c0_i32_0, %c0_i32_1 : i32, i32, i32, i32
  }
  func.func @transform_3(%arg0: i32) -> (i32, i32, i32) {
    %c0_i32 = arith.constant 0 : i32
    %c0_i32_0 = arith.constant 0 : i32
    %c0_i32_1 = arith.constant 0 : i32
    return %arg0, %c0_i32, %c0_i32_0 : i32, i32, i32
  }
  func.func @transform_4(%arg0: i32) -> (i32, i32, i32) {
    %c0_i32 = arith.constant 0 : i32
    %c0_i32_0 = arith.constant 0 : i32
    %c0_i32_1 = arith.constant 0 : i32
    return %arg0, %c0_i32, %c0_i32_0 : i32, i32, i32
  }
}

</mosaic_0001>

<sc_bundles>
// kernel: kernel.4.cloned.1.call-start
scs
__scs_entry_jumppad:
0x0: {  	(pc) =	sbr.rel $0x88, $3  }
0x1: {  	(tag) =	ssettag $0x0;
	lr =	simm.s32 $0x1  }
0x2: {  	[smem:$0x3F9E] =	sst lr;
	_ =	strace $0xD0000000  }
0x3: {  	_ = 	snop  }
0x4: {  	_ = 	snop  }
0x5: {  	_ = 	snop  }
0x6: {  	_ = 	snop  }
0x7: {  	_ = 	snop  }
__scs_overlays_trampoline_lowered:
0x8: {  	[smem:$0x3FAD] =	sst s0  }
0x9: {  	[smem:$0x3FAE] =	sst s1  }
0xa: {  	[smem:$0x3FAF] =	sst s2  }
0xb: {  	[smem:$0x3FB0] =	sst s3  }
0xc: {  	[smem:$0x3FB1] =	sst s4  }
0xd: {  	[smem:$0x3FB2] =	sst s5  }
0xe: {  	[smem:$0x3FB3] =	sst s6  }
0xf: {  	[smem:$0x3FB4] =	sst s7  }
0x10: {  	[smem:$0x3FB5] =	sst s8  }
0x11: {  	[smem:$0x3FB6] =	sst s9;
	s0 =	simm.s32 @!p0 $0x0  }
0x12: {  	s1 =	sld [smem:$0x3F9C];
	s0 =	simm.s32 @p0 $0x1  }
0x13: {  	[smem:$0x3FB7] =	sst s0;
	s0 =	simm.s32 @!p1 $0x0  }
0x14: {  	s2 =	sld [smem:$0x3F9B];
	s0 =	simm.s32 @p1 $0x1  }
0x15: {  	[smem:$0x3FB8] =	sst s0;
	s0 =	simm.s32 @!p2 $0x0  }
0x16: {  	s3 =	sld [smem:$0x3FDB];
	s0 =	simm.s32 @p2 $0x1  }
0x17: {  	s4 =	simm.s32 $0x1BF5;
	[smem:$0x3FBA] =	sst s0  }
0x18: {  	s0 =	sld [smem:$0x3F9D];
	_ =	swait.ge [sflag:s4], $0x0  }
0x19: {  	s7 =	sld [smem:$0x3F9E]  }
0x1a: {  	s8 =	sadd.s32 $0xFFFFE003, lr  }
0x1b: {  	s9 =	sadd.s32 $0xFFFFFEF7, lr;
	s5 =	simm.s32 $0xFFFFFFFF;
	p2 =	slt.u32 s8, $0xFFFFF086  }
0x1c: {  	p1 =	slt.u32 s9, $0xF7A;
	s5 =	simm.s32 @!p2 $0x0  }
0x1d: {  	s5 =	simm.s32 @p1 $0x1;
	p0 =	seq.s32 s7, s2  }
0x1e: {  	s7 =	smul.u32 @!p0 $0xF7A, s2;
	p2 =	seq.s32 @!p0 s5, $0x0  }
0x1f: {  	s9 =	smul.u32 $0xF7A, s1;
	s8 =	simm.s32 @!p0 $0x1BF5;
	p2 =	por !p2, p0  }
0x20: {  	[sflag:s8] =	ssyncset.s32 @!p0 $0xFFFFF086;
	s6 =	sadd.s32 @!p0 s3, s7;
	s7 =	simm.s32 @!p0 $0x108  }
0x21: {  	s3 =	sadd.s32 s3, s9;
	s6 =	sadd.s32 @!p0 $0x88, s6;
	s7 =	simm.s32 @p2 $0x1082  }
0x22: {  	[simem:s7], [sflag:s8] =	dma.local @!p0 [hbm:s6], $0xF7A  }
0x23: {  	s9 =	sor.u32 $0xD0000000, s2;
	s6 =	simm.s32 $0x108;
	_ =	swait.ge @!p0 [sflag:s8], $0x0  }
0x24: {  	s3 =	sadd.s32 $0x88, s3;
	s6 =	simm.s32 @!p1 $0x1082;
	[sflag:s4] =	ssyncset.s32 $0xFFFFF086  }
0x25: {  	[simem:s6], [sflag:s4] =	dma.local [hbm:s3], $0xF7A  }
0x26: {  	[smem:$0x3F9E] =	sst s1;
	(tag) =	ssettag s2;
	_ =	strace s9  }
0x27: {  	s1 =	sld [smem:$0x3FAE]  }
0x28: {  	s2 =	sld [smem:$0x3FAF]  }
0x29: {  	s4 =	sld [smem:$0x3FB1]  }
0x2a: {  	p0 =	seq.s32 s5, $0x0;
	s5 =	sld [smem:$0x3FB2]  }
0x2b: {  	s6 =	sld [smem:$0x3FB3]  }
0x2c: {  	s7 =	sld [smem:$0x3FB4]  }
0x2d: {  	s3 =	simm.s32 $0x108;
	s8 =	sld [smem:$0x3FB5]  }
0x2e: {  	s3 =	simm.s32 @!p0 $0x1082;
	s9 =	sld [smem:$0x3FB6]  }
0x2f: {  	lr =	sadd.s32 s0, s3;
	s0 =	sld [smem:$0x3FAD]  }
0x30: {  	s3 =	sld [smem:$0x3FB0]  }
0x31: {  	[smem:$0x3FB9] =	sst s10  }
0x32: {  	s10 =	sld [smem:$0x3FB7];
	_ =	sdelay $0x3  }
0x33: {  	p0 =	seq.s32 s10, $0x1;
	s10 =	sld [smem:$0x3FB9];
	_ =	sdelay $0x3  }
0x34: {  	[smem:$0x3FB9] =	sst s10  }
0x35: {  	s10 =	sld [smem:$0x3FB8];
	_ =	sdelay $0x3  }
0x36: {  	p1 =	seq.s32 s10, $0x1;
	s10 =	sld [smem:$0x3FB9];
	_ =	sdelay $0x3  }
0x37: {  	[smem:$0x3FB9] =	sst s10  }
0x38: {  	s10 =	sld [smem:$0x3FBA]  }
0x39: {  	_ = 	snop;
	(pc) =	sbr.ind lr, $3  }
0x3a: {  	_ = 	snop  }
0x3b: {  	_ = 	snop  }
0x3c: {  	p2 =	seq.s32 s10, $0x1;
	s10 =	sld [smem:$0x3FB9]  }
0x3d: {  	_ =	shalt  }
0x3e: {  	_ =	shalt  }
0x3f: {  	_ =	shalt  }
0x40: {  	_ =	shalt  }
0x41: {  	_ =	shalt  }
0x42: {  	_ =	shalt  }
0x43: {  	_ =	shalt  }
0x44: {  	_ =	shalt  }
0x45: {  	_ =	shalt  }
0x46: {  	_ =	shalt  }
0x47: {  	_ =	shalt  }
0x48: {  	_ =	shalt  }
0x49: {  	_ =	shalt  }
0x4a: {  	_ =	shalt  }
0x4b: {  	_ =	shalt  }
0x4c: {  	_ =	shalt  }
0x4d: {  	_ =	shalt  }
0x4e: {  	_ =	shalt  }
0x4f: {  	_ =	shalt  }
0x50: {  	_ =	shalt  }
0x51: {  	_ =	shalt  }
0x52: {  	_ =	shalt  }
0x53: {  	_ =	shalt  }
0x54: {  	_ =	shalt  }
0x55: {  	_ =	shalt  }
0x56: {  	_ =	shalt  }
0x57: {  	_ =	shalt  }
0x58: {  	_ =	shalt  }
0x59: {  	_ =	shalt  }
0x5a: {  	_ =	shalt  }
0x5b: {  	_ =	shalt  }
0x5c: {  	_ =	shalt  }
0x5d: {  	_ =	shalt  }
0x5e: {  	_ =	shalt  }
0x5f: {  	_ =	shalt  }
0x60: {  	_ =	shalt  }
0x61: {  	_ =	shalt  }
0x62: {  	_ =	shalt  }
0x63: {  	_ =	shalt  }
0x64: {  	_ =	shalt  }
0x65: {  	_ =	shalt  }
0x66: {  	_ =	shalt  }
0x67: {  	_ =	shalt  }
0x68: {  	_ =	shalt  }
0x69: {  	_ =	shalt  }
0x6a: {  	_ =	shalt  }
0x6b: {  	_ =	shalt  }
0x6c: {  	_ =	shalt  }
0x6d: {  	_ =	shalt  }
0x6e: {  	_ =	shalt  }
0x6f: {  	_ =	shalt  }
0x70: {  	_ =	shalt  }
0x71: {  	_ =	shalt  }
0x72: {  	_ =	shalt  }
0x73: {  	_ =	shalt  }
0x74: {  	_ =	shalt  }
0x75: {  	_ =	shalt  }
0x76: {  	_ =	shalt  }
0x77: {  	_ =	shalt  }
0x78: {  	_ =	shalt  }
0x79: {  	_ =	shalt  }
0x7a: {  	_ =	shalt  }
0x7b: {  	_ =	shalt  }
0x7c: {  	_ =	shalt  }
0x7d: {  	_ =	shalt  }
0x7e: {  	_ =	shalt  }
0x7f: {  	_ =	shalt  }
0x80: {  	_ =	shalt  }
0x81: {  	_ =	shalt  }
0x82: {  	_ =	shalt  }
0x83: {  	_ =	shalt  }
0x84: {  	_ =	shalt  }
0x85: {  	_ =	shalt  }
0x86: {  	_ =	shalt  }
0x87: {  	_ =	shalt  }
.Lfunc_end0:
.L_simem_size_0:
called_computation_lowered:
.L_overlay_start_0:
0x88: {  	s2 =	sld [smem:$0x3FD9]  }
0x89: {  	s3 =	sld [smem:$0x3FFE];
	_ =	sdelay $0x1  }
0x8a: {  	s1 =	srdreg.scid  }
0x8b: {  	s0 =	sand.u32 $0x1, s1  }
0x8c: {  	s14 =	sshll.u32 s0, $0xA;
	s2 =	sadd.s32 s3, s2  }
0x8d: {  	s2 =	sadd.s32 s2, s14  }
0x8e: {  	[smem:$0x3FC5] =	sst s2  }
0x8f: {  	_ = 	snop  }
0x90: {  	s2 =	sld [smem:$0x3FD0];
	_ =	sdelay $0x2  }
0x91: {  	s4 =	simm.s32 $0xA;
	s5 =	simm.s32 $0x10;
	s15 =	sld [smem:$0x3FC9]  }
0x92: {  	[smem:s5], [sflag:s4] =	dma.local [hbm:s2], $0x1  }
0x93: {  	_ =	swait.eq [sflag:s4], $0x1  }
0x94: {  	[sflag:s4] =	ssyncset.done $0x0  }
0x95: {  	[sflag:s4] =	ssyncadd.s32 $0xFFFFFFFF  }
0x96: {  	s16 =	sld [smem:$0x10];
	(tm) =	ssettm $0x1  }
0x97: {  	s17 =	sld [smem:$0x3FFB];
	_ =	sdelay $0x3  }
0x98: {  	_ =	strace s17  }
0x99: {  	s4 =	sld [smem:$0x3FFC];
	_ =	sdelay $0x3  }
0x9a: {  	_ =	strace s4  }
0x9b: {  	s4 =	sld [smem:$0x3FFD];
	_ =	sdelay $0x3  }
0x9c: {  	_ =	strace s4  }
0x9d: {  	_ =	strace $0x8FFFFFFF  }
0x9e: {  	s18 =	sld [smem:$0x3FDB];
	_ =	sdelay $0x1  }
0x9f: {  	s19 =	simm.s32 $_scs_section_size  }
0xa0: {  	s6 =	simm.s32 $_size__tile_overlayer_lowered;
	s7 =	simm.s32 $_tile_overlayer_lowered  }
0xa1: {  	s22 =	simm.s32 $0x1BFF;
	s21 =	sshll.u32 s7, $0x1;
	s4 =	sadd.s32 s19, s18  }
0xa2: {  	s8 =	simm.s32 $0x0;
	s20 =	sshll.u32 s6, $0x1;
	s6 =	sadd.s32 s21, s4  }
0xa3: {  	[timem:s8], [sflag:s22] =	dma.local [hbm:s6], s20  }
0xa4: {  	_ =	swait.ge [sflag:s22], s20  }
0xa5: {  	s5 =	ssub.s32 $0x0, s20;
	[sflag:s22] =	ssyncset.done $0x0  }
0xa6: {  	[sflag:s22] =	ssyncadd.s32 s5;
	_ =	sdelay $0x1  }
0xa7: {  	s23 =	simm.s32 $0x1B8B  }
0xa8: {  	_ =	swait.ge [sflag:s23], $0x1  }
0xa9: {  	[sflag:s23] =	ssyncset.done $0x0  }
0xaa: {  	s25 =	simm.s32 $0x1B8E;
	s24 =	sld [smem:$0x3FFE];
	[sflag:s23] =	ssyncadd.s32 $0xFFFFFFFF  }
0xab: {  	s26 =	simm.s32 $execute0_lowered;
	[smem:$0x3FD2] =	sst s25  }
0xac: {  	s6 =	sshll.u32 s26, $0x1;
	_ =	strace $0x80000046;
	[dreg:$0x1] =	wrdreg $0xFFFFFFFF  }
0xad: {  	s28 =	simm.s32 $_size_execute0_lowered;
	s4 =	sadd.s32 s4, s6;
	[dreg:$0x0] =	wrdreg $0x0  }
0xae: {  	s6 =	sshll.u32 s28, $0x1;
	[dreg:$0x2] =	wrdreg s4  }
0xaf: {  	[dreg:$0x3] =	wrdreg s6  }
0xb0: {  	[dreg:$0x4] =	wrdreg $0xC0  }
0xb1: {  	_ =	task [dreg:s8], $0x5FFFF  }
0xb2: {  	[dreg:$0x1] =	wrdreg $0xFFFFFFFF  }
0xb3: {  	[dreg:$0x0] =	wrdreg $0x60  }
0xb4: {  	[dreg:$0x2] =	wrdreg s15  }
0xb5: {  	[dreg:$0x3] =	wrdreg s24  }
0xb6: {  	[dreg:$0x4] =	wrdreg s16  }
0xb7: {  	[dreg:$0x5] =	wrdreg $0x9  }
0xb8: {  	_ =	task.clear_ibuf [dreg:s8], $0x6FFFF;
	_ =	strace $0x90000046  }
0xb9: {  	s29 =	simm.s32 $0x9;
	_ =	strace $0x80000048  }
0xba: {  	_ =	swait.ge [sflag:s29], $0x1  }
0xbb: {  	[sflag:s29] =	ssyncadd.s32 $0xFFFFFFFF  }
0xbc: {  	_ =	strace $0x90000048  }
0xbd: {  	_ =	sfence  }
0xbe: {  	s30 =	sld [smem:$0x0];
	_ =	sdelay $0x2  }
0xbf: {  	s31 =	sshll.u32 s1, $0xD;
	s1 =	sshrl.u32 s1, $0x2  }
0xc0: {  	s3 =	sand.u32 $0x4000, s31;
	s1 =	sadd.s32 s1, s30  }
0xc1: {  	s0 =	sor.u32 s3, s0;
	s1 =	sshll.u32 s1, $0x11  }
0xc2: {  	s0 =	sor.u32 s1, s0  }
0xc3: {  	s0 =	sadd.s32 $0x8F2B, s0  }
0xc4: {  	[sflag:s0] =	ssyncadd.remote.s32 $0x1  }
0xc5: {  	_ =	sfence.sel $0xFFFF  }
0xc6: {  	[dreg:$0x0] =	wrdreg $0xFFFFFFFF;
	(pc) =	sbr.abs _section_cstart, $3  }
0xc7: {  	[dreg:$0x1] =	wrdreg $0xFFFFFFFF  }
0xc8: {  	_ =	task.clear_ibuf [dreg:s8], $0x2FFFF;
	_ =	strace $0x9FFFFFFF  }
0xc9: {  	(tm) =	ssettm $0x7FFFFFFF  }
tec
execute0_lowered:
.L_overlay_start_1:
0x0: {  	(tag) =	ssettag $0x1  }
0x1: {  	s2 =	srdreg.scid  }
0x2: {  	s1 =	rddreg [dreg:$0x0];
	s0 =	stileid.u32;
	s26 =	sand.u32 $0x1, s2  }
0x3: {  	s4 =	rddreg [dreg:$0x1];
	s31 =	sshll.u32 s0, $0xB;
	s3 =	sshll.u32 s26, $0xA  }
0x4: {  	s10 =	rddreg [dreg:$0x2];
	s11 =	sor.u32 s3, s31  }
0x5: {  	s2 =	rddreg [dreg:$0x3];
	s3 =	simm.s32 $0x0;
	s5 =	sshrl.u32 s11, $0x3  }
0x6: {  	[smem:$0x7FF] =	sst s3;
	s4 =	sadd.s32 s5, s4  }
0x7: {  	_ =	strace $0x80000047;
	s5 =	simm.s32 $0x5;
	s4 =	sadd.s32 $0x800, s4  }
0x8: {  	[tilespmem:s3], [sflag:$0x5] =	stream.linear.gather [hbm4b:s4+s3], $0x400, $0x38;
	[tilespmem:$0x8400] =	vst v63  }
0x9: {  	_ =	swait.ge [sflag:s5], $0x400  }
0xa: {  	[sflag:s5] =	ssyncset.done $0x0  }
0xb: {  	s6 =	simm.s32 $0x80;
	s7 =	simm.s32 $0x400;
	[sflag:s5] =	ssyncadd.s32 $0xFFFFFC00  }
0xc: {  	[tilespmem:s7], [sflag:$0x1] =	stream.indirect.gather [hbm4b:s1+s6], $0x80, s3, s6, $0xb8;
	[tilespmem:$0x8400] =	vst v63  }
0xd: {  	s8 =	simm.s32 $0x4400;
	s9 =	simm.s32 $0x1  }
0xe: {  	[tilespmem:s8], [sflag:$0x2] =	stream.indirect.gather [hbm4b:s1+s6], $0x80, s6, s6, $0xb8;
	[tilespmem:$0x8400] =	vst v63  }
0xf: {  	_ =	swait.ge [sflag:s9], $0x4000  }
0x10: {  	s11 =	sshll.u32 s11, $0x4;
	[sflag:s9] =	ssyncset.done $0x0  }
0x11: {  	s11 =	sadd.s32 s10, s11;
	s10 =	simm.s32 $0x3;
	[sflag:s9] =	ssyncadd.s32 $0xFFFFC000  }
0x12: {  	[hbm4b:s11+s3] =	stream.linear.scatter [tilespmem:s7], [sflag:$0x3], $0x4000, $0x38;
	[tilespmem:$0x8400] =	vst v63  }
0x13: {  	_ =	swait.ge [sflag:s10], $0x4000  }
0x14: {  	[sflag:s10] =	ssyncset.done $0x0  }
0x15: {  	s12 =	simm.s32 $0x100;
	s13 =	simm.s32 $0x2;
	[sflag:s10] =	ssyncadd.s32 $0xFFFFC000  }
0x16: {  	[tilespmem:s7], [sflag:$0x1] =	stream.indirect.gather [hbm4b:s1+s6], $0x80, s12, s6, $0xb8;
	[tilespmem:$0x8400] =	vst v63  }
0x17: {  	_ =	swait.ge [sflag:s13], $0x4000  }
0x18: {  	[sflag:s13] =	ssyncset.done $0x0  }
0x19: {  	s15 =	simm.s32 $0x4;
	s14 =	sadd.s32 $0x800, s11;
	[sflag:s13] =	ssyncadd.s32 $0xFFFFC000  }
0x1a: {  	[hbm4b:s14+s3] =	stream.linear.scatter [tilespmem:s8], [sflag:$0x4], $0x4000, $0x38;
	[tilespmem:$0x8400] =	vst v63  }
0x1b: {  	_ =	swait.ge [sflag:s15], $0x4000  }
0x1c: {  	[sflag:s15] =	ssyncset.done $0x0  }
0x1d: {  	s16 =	simm.s32 $0x180;
	[sflag:s15] =	ssyncadd.s32 $0xFFFFC000  }
0x1e: {  	[tilespmem:s8], [sflag:$0x2] =	stream.indirect.gather [hbm4b:s1+s6], $0x80, s16, s6, $0xb8;
	[tilespmem:$0x8400] =	vst v63  }
0x1f: {  	_ =	swait.ge [sflag:s9], $0x4000  }
0x20: {  	[sflag:s9] =	ssyncset.done $0x0  }
0x21: {  	s17 =	sadd.s32 $0x1000, s11;
	[sflag:s9] =	ssyncadd.s32 $0xFFFFC000  }
0x22: {  	[hbm4b:s17+s3] =	stream.linear.scatter [tilespmem:s7], [sflag:$0x3], $0x4000, $0x38;
	[tilespmem:$0x8400] =	vst v63  }
0x23: {  	_ =	swait.ge [sflag:s10], $0x4000  }
0x24: {  	[sflag:s10] =	ssyncset.done $0x0  }
0x25: {  	s18 =	simm.s32 $0x200;
	[sflag:s10] =	ssyncadd.s32 $0xFFFFC000  }
0x26: {  	[tilespmem:s7], [sflag:$0x1] =	stream.indirect.gather [hbm4b:s1+s6], $0x80, s18, s6, $0xb8;
	[tilespmem:$0x8400] =	vst v63  }
0x27: {  	_ =	swait.ge [sflag:s13], $0x4000  }
0x28: {  	[sflag:s13] =	ssyncset.done $0x0  }
0x29: {  	s19 =	sadd.s32 $0x1800, s11;
	[sflag:s13] =	ssyncadd.s32 $0xFFFFC000  }
0x2a: {  	[hbm4b:s19+s3] =	stream.linear.scatter [tilespmem:s8], [sflag:$0x4], $0x4000, $0x38;
	[tilespmem:$0x8400] =	vst v63  }
0x2b: {  	_ =	swait.ge [sflag:s15], $0x4000  }
0x2c: {  	[sflag:s15] =	ssyncset.done $0x0  }
0x2d: {  	s20 =	simm.s32 $0x280;
	[sflag:s15] =	ssyncadd.s32 $0xFFFFC000  }
0x2e: {  	[tilespmem:s8], [sflag:$0x2] =	stream.indirect.gather [hbm4b:s1+s6], $0x80, s20, s6, $0xb8;
	[tilespmem:$0x8400] =	vst v63  }
0x2f: {  	_ =	swait.ge [sflag:s9], $0x4000  }
0x30: {  	[sflag:s9] =	ssyncset.done $0x0  }
0x31: {  	s21 =	sadd.s32 $0x2000, s11;
	[sflag:s9] =	ssyncadd.s32 $0xFFFFC000  }
0x32: {  	[hbm4b:s21+s3] =	stream.linear.scatter [tilespmem:s7], [sflag:$0x3], $0x4000, $0x38;
	[tilespmem:$0x8400] =	vst v63  }
0x33: {  	_ =	swait.ge [sflag:s10], $0x4000  }
0x34: {  	[sflag:s10] =	ssyncset.done $0x0  }
0x35: {  	s22 =	simm.s32 $0x300;
	[sflag:s10] =	ssyncadd.s32 $0xFFFFC000  }
0x36: {  	[tilespmem:s7], [sflag:$0x1] =	stream.indirect.gather [hbm4b:s1+s6], $0x80, s22, s6, $0xb8;
	[tilespmem:$0x8400] =	vst v63  }
0x37: {  	_ =	swait.ge [sflag:s13], $0x4000  }
0x38: {  	[sflag:s13] =	ssyncset.done $0x0  }
0x39: {  	s23 =	sadd.s32 $0x2800, s11;
	[sflag:s13] =	ssyncadd.s32 $0xFFFFC000  }
0x3a: {  	[hbm4b:s23+s3] =	stream.linear.scatter [tilespmem:s8], [sflag:$0x4], $0x4000, $0x38;
	[tilespmem:$0x8400] =	vst v63  }
0x3b: {  	_ =	swait.ge [sflag:s15], $0x4000  }
0x3c: {  	[sflag:s15] =	ssyncset.done $0x0  }
0x3d: {  	s24 =	simm.s32 $0x380;
	[sflag:s15] =	ssyncadd.s32 $0xFFFFC000  }
0x3e: {  	[tilespmem:s8], [sflag:$0x2] =	stream.indirect.gather [hbm4b:s1+s6], $0x80, s24, s6, $0xb8;
	[tilespmem:$0x8400] =	vst v63  }
0x3f: {  	_ =	swait.ge [sflag:s9], $0x4000  }
0x40: {  	s28 =	ssub.s32 $0x2, s26;
	[sflag:s9] =	ssyncset.done $0x0  }
0x41: {  	s29 =	sshrl.u32 s28, $0x1;
	s25 =	sadd.s32 $0x3000, s11;
	[sflag:s9] =	ssyncadd.s32 $0xFFFFC000  }
0x42: {  	[hbm4b:s25+s3] =	stream.linear.scatter [tilespmem:s7], [sflag:$0x3], $0x4000, $0x38;
	[tilespmem:$0x8400] =	vst v63  }
0x43: {  	s28 =	ssub.s32 s28, s29;
	_ =	swait.ge [sflag:s13], $0x4000  }
0x44: {  	s28 =	smax.u32 s28, $0x1;
	[sflag:s13] =	ssyncset.done $0x0  }
0x45: {  	s26 =	sadd.s32 $0x3800, s11;
	p0 =	sne.s32 s28, $0x1;
	[sflag:s13] =	ssyncadd.s32 $0xFFFFC000  }
0x46: {  	[hbm4b:s26+s3] =	stream.linear.scatter [tilespmem:s8], [sflag:$0x5], $0x4000, $0x38;
	[tilespmem:$0x8400] =	vst v63  }
.Ltmp0:
0x47: {  	_ =	swait.ge [sflag:s5], $0x4000;
	(pc) =	sbr.rel @!p0 .LBB2_2-.Ltmp0, $4  }
0x48: {  	[sflag:s5] =	ssyncset.done $0x0  }
0x49: {  	[sflag:s5] =	ssyncadd.s32 $0xFFFFC000  }
0x4a: {  	_ =	swait.ge [sflag:s10], $0x4000  }
0x4b: {  	s28 =	sadd.s32 $0xFFFFFFFF, s28;
	[sflag:s10] =	ssyncset.done $0x0  }
.LBB2_1:
0x4c: {  	p0 =	sne.s32 s28, $0x1;
	s28 =	sadd.s32 $0xFFFFFFFF, s28;
	[sflag:s10] =	ssyncadd.s32 $0xFFFFC000  }
0x4d: {  	[tilespmem:s3], [sflag:$0x5] =	stream.linear.gather [hbm4b:s4+s3], $0x400, $0x38;
	[tilespmem:$0x8400] =	vst v63  }
0x4e: {  	_ =	swait.ge [sflag:s5], $0x400  }
0x4f: {  	[sflag:s5] =	ssyncset.done $0x0  }
0x50: {  	[sflag:s5] =	ssyncadd.s32 $0xFFFFFC00  }
0x51: {  	[tilespmem:s7], [sflag:$0x1] =	stream.indirect.gather [hbm4b:s1+s6], $0x80, s3, s6, $0xb8;
	[tilespmem:$0x8400] =	vst v63  }
0x52: {  	_ = 	snop  }
0x53: {  	[tilespmem:s8], [sflag:$0x2] =	stream.indirect.gather [hbm4b:s1+s6], $0x80, s6, s6, $0xb8;
	[tilespmem:$0x8400] =	vst v63  }
0x54: {  	_ =	swait.ge [sflag:s9], $0x4000  }
0x55: {  	[sflag:s9] =	ssyncset.done $0x0  }
0x56: {  	[sflag:s9] =	ssyncadd.s32 $0xFFFFC000  }
0x57: {  	[hbm4b:s11+s3] =	stream.linear.scatter [tilespmem:s7], [sflag:$0x3], $0x4000, $0x38;
	[tilespmem:$0x8400] =	vst v63  }
0x58: {  	_ =	swait.ge [sflag:s10], $0x4000  }
0x59: {  	[sflag:s10] =	ssyncset.done $0x0  }
0x5a: {  	[sflag:s10] =	ssyncadd.s32 $0xFFFFC000  }
0x5b: {  	[tilespmem:s7], [sflag:$0x1] =	stream.indirect.gather [hbm4b:s1+s6], $0x80, s12, s6, $0xb8;
	[tilespmem:$0x8400] =	vst v63  }
0x5c: {  	_ =	swait.ge [sflag:s13], $0x4000  }
0x5d: {  	[sflag:s13] =	ssyncset.done $0x0  }
0x5e: {  	[sflag:s13] =	ssyncadd.s32 $0xFFFFC000  }
0x5f: {  	[hbm4b:s14+s3] =	stream.linear.scatter [tilespmem:s8], [sflag:$0x4], $0x4000, $0x38;
	[tilespmem:$0x8400] =	vst v63  }
0x60: {  	_ =	swait.ge [sflag:s15], $0x4000  }
0x61: {  	[sflag:s15] =	ssyncset.done $0x0  }
0x62: {  	[sflag:s15] =	ssyncadd.s32 $0xFFFFC000  }
0x63: {  	[tilespmem:s8], [sflag:$0x2] =	stream.indirect.gather [hbm4b:s1+s6], $0x80, s16, s6, $0xb8;
	[tilespmem:$0x8400] =	vst v63  }
0x64: {  	_ =	swait.ge [sflag:s9], $0x4000  }
0x65: {  	[sflag:s9] =	ssyncset.done $0x0  }
0x66: {  	[sflag:s9] =	ssyncadd.s32 $0xFFFFC000  }
0x67: {  	[hbm4b:s17+s3] =	stream.linear.scatter [tilespmem:s7], [sflag:$0x3], $0x4000, $0x38;
	[tilespmem:$0x8400] =	vst v63  }
0x68: {  	_ =	swait.ge [sflag:s10], $0x4000  }
0x69: {  	[sflag:s10] =	ssyncset.done $0x0  }
0x6a: {  	[sflag:s10] =	ssyncadd.s32 $0xFFFFC000  }
0x6b: {  	[tilespmem:s7], [sflag:$0x1] =	stream.indirect.gather [hbm4b:s1+s6], $0x80, s18, s6, $0xb8;
	[tilespmem:$0x8400] =	vst v63  }
0x6c: {  	_ =	swait.ge [sflag:s13], $0x4000  }
0x6d: {  	[sflag:s13] =	ssyncset.done $0x0  }
0x6e: {  	[sflag:s13] =	ssyncadd.s32 $0xFFFFC000  }
0x6f: {  	[hbm4b:s19+s3] =	stream.linear.scatter [tilespmem:s8], [sflag:$0x4], $0x4000, $0x38;
	[tilespmem:$0x8400] =	vst v63  }
0x70: {  	_ =	swait.ge [sflag:s15], $0x4000  }
0x71: {  	[sflag:s15] =	ssyncset.done $0x0  }
0x72: {  	[sflag:s15] =	ssyncadd.s32 $0xFFFFC000  }
0x73: {  	[tilespmem:s8], [sflag:$0x2] =	stream.indirect.gather [hbm4b:s1+s6], $0x80, s20, s6, $0xb8;
	[tilespmem:$0x8400] =	vst v63  }
0x74: {  	_ =	swait.ge [sflag:s9], $0x4000  }
0x75: {  	[sflag:s9] =	ssyncset.done $0x0  }
0x76: {  	[sflag:s9] =	ssyncadd.s32 $0xFFFFC000  }
0x77: {  	[hbm4b:s21+s3] =	stream.linear.scatter [tilespmem:s7], [sflag:$0x3], $0x4000, $0x38;
	[tilespmem:$0x8400] =	vst v63  }
0x78: {  	_ =	swait.ge [sflag:s10], $0x4000  }
0x79: {  	[sflag:s10] =	ssyncset.done $0x0  }
0x7a: {  	[sflag:s10] =	ssyncadd.s32 $0xFFFFC000  }
0x7b: {  	[tilespmem:s7], [sflag:$0x1] =	stream.indirect.gather [hbm4b:s1+s6], $0x80, s22, s6, $0xb8;
	[tilespmem:$0x8400] =	vst v63  }
0x7c: {  	_ =	swait.ge [sflag:s13], $0x4000  }
0x7d: {  	[sflag:s13] =	ssyncset.done $0x0  }
0x7e: {  	[sflag:s13] =	ssyncadd.s32 $0xFFFFC000  }
0x7f: {  	[hbm4b:s23+s3] =	stream.linear.scatter [tilespmem:s8], [sflag:$0x4], $0x4000, $0x38;
	[tilespmem:$0x8400] =	vst v63  }
0x80: {  	_ =	swait.ge [sflag:s15], $0x4000  }
0x81: {  	[sflag:s15] =	ssyncset.done $0x0  }
0x82: {  	[sflag:s15] =	ssyncadd.s32 $0xFFFFC000  }
0x83: {  	[tilespmem:s8], [sflag:$0x2] =	stream.indirect.gather [hbm4b:s1+s6], $0x80, s24, s6, $0xb8;
	[tilespmem:$0x8400] =	vst v63  }
0x84: {  	_ =	swait.ge [sflag:s9], $0x4000  }
0x85: {  	[sflag:s9] =	ssyncset.done $0x0  }
0x86: {  	[sflag:s9] =	ssyncadd.s32 $0xFFFFC000  }
0x87: {  	[hbm4b:s25+s3] =	stream.linear.scatter [tilespmem:s7], [sflag:$0x3], $0x4000, $0x38;
	[tilespmem:$0x8400] =	vst v63  }
0x88: {  	_ =	swait.ge [sflag:s13], $0x4000  }
0x89: {  	[sflag:s13] =	ssyncset.done $0x0  }
0x8a: {  	[sflag:s13] =	ssyncadd.s32 $0xFFFFC000  }
0x8b: {  	[hbm4b:s26+s3] =	stream.linear.scatter [tilespmem:s8], [sflag:$0x5], $0x4000, $0x38;
	[tilespmem:$0x8400] =	vst v63  }
.Ltmp1:
0x8c: {  	_ =	swait.ge [sflag:s5], $0x4000;
	(pc) =	sbr.rel @p0 .LBB2_1-.Ltmp1, $4  }
0x8d: {  	[sflag:s5] =	ssyncset.done $0x0  }
0x8e: {  	[sflag:s5] =	ssyncadd.s32 $0xFFFFC000  }
0x8f: {  	_ =	swait.ge [sflag:s10], $0x4000  }
0x90: {  	[sflag:s10] =	ssyncset.done $0x0  }
.LBB2_2:
0x91: {  	[sflag:s10] =	ssyncadd.s32 $0xFFFFC000  }
0x92: {  	_ =	sfence.sel $0x180000  }
0x93: {  	[bflag:$0x0] =	sbarrier.arrive $0xFFFF  }
0x94: {  	p0 =	sne.s32 s0, $0x0;
	_ =	strace $0x90000047  }
0x95: {  	s0 =	sadd.s32 @!p0 $0x100000, s2;
	[bflag:$0x2] =	sbarrier.arrive $0xFFFF  }
0x96: {  	[sflag:s0] =	ssyncadd.tile.s32 @!p0 $0x1;
	_ =	shalt  }
.Lfunc_end2:
_tile_overlayer_lowered:
.L_overlay_start_2:
0x97: {  	(tag) =	ssettag $0x2  }
0x98: {  	s0 =	rddreg [dreg:$0x0];
	s2 =	stileid.u32  }
0x99: {  	s1 =	rddreg [dreg:$0x1];
	p0 =	sne.s32 s2, $0x0  }
0x9a: {  	s3 =	rddreg [dreg:$0x2];
	[bflag:$0x3] =	sbarrier.arrive $0xFFFF;
	s2 =	simm.s32 @!p0 $0x1C05  }
0x9b: {  	[timem:s3], [sflag:s2] =	dma.local @!p0 [hbm:s0], s1  }
0x9c: {  	s0 =	simm.s32 @!p0 $0x5  }
0x9d: {  	_ =	swait.ge @!p0 [sflag:s0], s1  }
0x9e: {  	s1 =	ssub.s32 @!p0 $0x0, s1;
	[sflag:s0] =	ssyncset.done @!p0 $0x0  }
0x9f: {  	[sflag:s0] =	ssyncadd.s32 @!p0 s1  }
0xa0: {  	[bflag:$0x3] =	sbarrier.arrive $0xFFFF  }
0xa1: {  	_ =	shalt  }

</sc_bundles>
